<compile_context>
chip_gen: v7x
topology: tpu7x:2x2x1
jax: 0.10.2.dev20260603
libtpu: 0.0.44.dev20260713+nightly
codegen_flags: <defaults>
</compile_context>

<pallas_src>
import functools

import jax
import jax.numpy as jnp
from jax import lax
from jax.experimental import pallas as pl
from jax.experimental.pallas import tpu as pltpu
from jax.experimental.pallas import tpu_sc as plsc

_EMBED = 128
_CHUNK = 128


def _gather_sc(table, idx4):
    _, ns, n_chunks, _ = idx4.shape
    n_per_w = n_chunks * _CHUNK
    batch = ns * n_per_w
    mesh = plsc.VectorSubcoreMesh(core_axis_name="c", subcore_axis_name="s")

    @functools.partial(
        pl.kernel,
        mesh=mesh,
        out_type=jax.ShapeDtypeStruct((2, batch, _EMBED), jnp.float32),
        scratch_types=[
            pltpu.VMEM((n_chunks, _CHUNK), jnp.int32),
            pltpu.VMEM((4, _CHUNK, _EMBED), jnp.float32),
            pltpu.SemaphoreType.DMA,
            pltpu.SemaphoreType.DMA,
            pltpu.SemaphoreType.DMA,
            pltpu.SemaphoreType.DMA,
            pltpu.SemaphoreType.DMA,
            pltpu.SemaphoreType.DMA,
            pltpu.SemaphoreType.DMA,
            pltpu.SemaphoreType.DMA,
        ],
    )
    def gather_kernel(
        table_hbm, idx_hbm, out_hbm, idx_v, rows_v,
        gsem0, gsem1, gsem2, gsem3, wsem0, wsem1, wsem2, wsem3,
    ):
        half = lax.axis_index("c")
        sub = lax.axis_index("s")
        base = sub * n_per_w
        pltpu.sync_copy(idx_hbm.at[half, sub], idx_v)
        gsems = (gsem0, gsem1, gsem2, gsem3)
        wsems = (wsem0, wsem1, wsem2, wsem3)
        nbuf = 4

        def gather(j, b):
            return pltpu.async_copy(
                table_hbm.at[idx_v.at[j]], rows_v.at[b], gsems[b]
            )

        def writeback(j, b):
            return pltpu.async_copy(
                rows_v.at[b],
                out_hbm.at[half, pl.ds(base + j * _CHUNK, _CHUNK)],
                wsems[b],
            )

        g, w = {}, {}
        for j in range(min(nbuf - 1, n_chunks)):
            g[j] = gather(j, j % nbuf)
        for j in range(n_chunks):
            b = j % nbuf
            g.pop(j).wait()
            w[b] = writeback(j, b)
            nj = j + nbuf - 1
            if nj < n_chunks:
                nb = nj % nbuf
                if nb in w:
                    w.pop(nb).wait()
                g[nj] = gather(nj, nb)
        for b in list(w):
            w.pop(b).wait()

    return gather_kernel(table, idx4)


def _mlp_body(x_ref, w1a_ref, w1b_ref, b1_ref, w2_ref, b2_ref, o_out):
    h = jnp.dot(x_ref[0], w1a_ref[...], preferred_element_type=jnp.float32)
    h = h + jnp.dot(x_ref[1], w1b_ref[...], preferred_element_type=jnp.float32)
    h = h + b1_ref[...]
    h = jnp.where(h > 0, h, jnp.exp(jnp.minimum(h, 0.0)) - 1.0)
    w2 = w2_ref[...]
    rows = [
        lax.dot_general(
            w2,
            h[i * 128:(i + 1) * 128, :],
            (((0,), (1,)), ((), ())),
            preferred_element_type=jnp.float32,
        )
        for i in range(h.shape[0] // 128)
    ]
    o_out[...] = jnp.concatenate(rows, axis=0) + b2_ref[0, 0]


def _mlp_tc(rows3, w1a, w1b, b1p, w2p, b2):
    bsz = rows3.shape[1]
    bm = 4096 if bsz % 4096 == 0 else 2048
    grid = (bsz // bm,)
    return pl.pallas_call(
        _mlp_body,
        grid=grid,
        in_specs=[
            pl.BlockSpec((2, bm, _EMBED), lambda i: (0, i, 0)),
            pl.BlockSpec(w1a.shape, lambda i: (0, 0)),
            pl.BlockSpec(w1b.shape, lambda i: (0, 0)),
            pl.BlockSpec(b1p.shape, lambda i: (0, 0)),
            pl.BlockSpec(w2p.shape, lambda i: (0, 0)),
            pl.BlockSpec(b2.shape, lambda i: (0, 0)),
        ],
        out_specs=pl.BlockSpec((bm // 128, 128), lambda i: (i, 0)),
        out_shape=jax.ShapeDtypeStruct((bsz // 128, 128), jnp.float32),
    )(rows3, w1a, w1b, b1p, w2p, b2)


def kernel(input, table, W1, b1, W2, b2):
    batch = input.shape[0]
    info = plsc.get_sparse_core_info()
    ns = info.num_subcores
    pad = 128 - W1.shape[1]
    w1a = jnp.pad(W1[:_EMBED], ((0, 0), (0, pad)))
    w1b = jnp.pad(W1[_EMBED:], ((0, 0), (0, pad)))
    b1p = jnp.pad(b1, (0, pad)).reshape(1, 128)
    w2p = jnp.pad(W2, ((0, pad), (0, 0)))
    b2r = b2.reshape(1, 1)

    idx4 = input.T.reshape(2, ns, batch // (ns * _CHUNK), _CHUNK)
    rows3 = _gather_sc(table, idx4)
    out2 = _mlp_tc(rows3, w1a, w1b, b1p, w2p, b2r)
    return out2.reshape(batch, 1)

# --- scband reference (transcript-rebuilt; emitter-appended) ---
"""Pipeline reference for scband-embedding-model-1151051235770 (READ-ONLY COPY).

The authoritative reference and input builder live on the scoring server;
editing this copy changes nothing except your own understanding.
"""

import jax, jax.numpy as jnp
import numpy as np

EMBED_DIM = 128
NUM_LOC = 100000
BATCH = 16384


def setup_inputs(seed: int = 0) -> dict:
    key = jax.random.key(seed)
    k1, k2, k3, k4 = jax.random.split(key, 4)
    inp = jax.random.randint(k1, (BATCH, 2), 0, NUM_LOC, dtype=jnp.int32)
    table = jax.random.normal(k2, (NUM_LOC + 1, EMBED_DIM), dtype=jnp.float32) * 0.02
    W1 = jax.random.normal(k3, (2 * EMBED_DIM, 100), dtype=jnp.float32) * (1.0 / np.sqrt(2 * EMBED_DIM))
    b1 = jnp.zeros((100,), dtype=jnp.float32)
    W2 = jax.random.normal(k4, (100, 1), dtype=jnp.float32) * 0.1
    b2 = jnp.zeros((1,), dtype=jnp.float32)
    return {"input": inp, "table": table, "W1": W1, "b1": b1, "W2": W2, "b2": b2}


def reference(input, table, W1, b1, W2, b2):
    # torch.chunk(input, 2, dim=-1) on [B, 2] -> two [B, 1] tensors, then view(-1)
    origin_idx = input[:, 0].reshape(-1)
    dest_idx = input[:, 1].reshape(-1)
    origin_embed = jnp.take(table, origin_idx, axis=0)
    dest_embed = jnp.take(table, dest_idx, axis=0)
    state_embed = jnp.concatenate([origin_embed, dest_embed], axis=-1)
    h = state_embed @ W1 + b1
    h = jax.nn.elu(h)
    out = h @ W2 + b2
    return out

if __name__ == "__main__":
    import jax
    _d = setup_inputs()
    print(jax.jit(kernel)(*tuple(_d.values())))

</pallas_src>

<mosaic_0001>
#map = affine_map<(d0, d1) -> (0, 0)>
#map1 = affine_map<(d0, d1) -> (0, 0, 0, 0)>
#map2 = affine_map<(d0, d1) -> (0, 0, 0)>
module attributes {stable_mosaic.version = 14 : i64} {
  func.func @gather_kernel(%arg0: i32, %arg1: i32, %arg2: memref<100001x128xf32, #tpu.memory_space<hbm>>, %arg3: memref<2x16x8x128xi32, #tpu.memory_space<hbm>>, %arg4: memref<2x16384x128xf32, #tpu.memory_space<hbm>>, %arg5: memref<8x128xi32, #tpu.memory_space<vmem>>, %arg6: memref<4x128x128xf32, #tpu.memory_space<vmem>>, %arg7: memref<!tpu.dma_semaphore, #tpu.memory_space<semaphore_mem>>, %arg8: memref<!tpu.dma_semaphore, #tpu.memory_space<semaphore_mem>>, %arg9: memref<!tpu.dma_semaphore, #tpu.memory_space<semaphore_mem>>, %arg10: memref<!tpu.dma_semaphore, #tpu.memory_space<semaphore_mem>>, %arg11: memref<!tpu.dma_semaphore, #tpu.memory_space<semaphore_mem>>, %arg12: memref<!tpu.dma_semaphore, #tpu.memory_space<semaphore_mem>>, %arg13: memref<!tpu.dma_semaphore, #tpu.memory_space<semaphore_mem>>, %arg14: memref<!tpu.dma_semaphore, #tpu.memory_space<semaphore_mem>>) attributes {dimension_semantics = [#tpu.dimension_semantics<core_parallel>, #tpu.dimension_semantics<subcore_parallel>], iteration_bounds = array<i64: 2, 16>, scalar_prefetch = 0 : i64, scratch_operands = 10 : i64, tpu.core_type = #tpu.core_type<sc_vector_subcore>, window_params = [{transform_indices = #map}, {transform_indices = #map1}, {transform_indices = #map2}]} {
    %mul3A = arith.constant 1024 : i32
    %mul3A_0 = arith.muli %arg1, %mul3A : i32
    "tpu.region"() ({
      %run_scoped3A = tpu.sem_alloc : memref<!tpu.dma_semaphore, #tpu.memory_space<semaphore_mem>>
      %dma_start3A_446 = arith.constant 0 : i32
      %dma_start3A_447 = arith.constant 0 : i32
      %dma_start3A_448 = tpu.memref_slice %arg3[%arg0, %arg1, %dma_start3A_446, %dma_start3A_447] : memref<2x16x8x128xi32, #tpu.memory_space<hbm>> -> memref<1x1x8x128xi32, #tpu.memory_space<hbm>>
      %dma_start3A_449 = tpu.memref_squeeze %dma_start3A_448 : memref<1x1x8x128xi32, #tpu.memory_space<hbm>> -> memref<8x128xi32, #tpu.memory_space<hbm>>
      %dma_start3A_450 = arith.constant 0 : i32
      %dma_start3A_451 = arith.constant 0 : i32
      %dma_start3A_452 = tpu.memref_slice %arg3[%arg0, %arg1, %dma_start3A_450, %dma_start3A_451] : memref<2x16x8x128xi32, #tpu.memory_space<hbm>> -> memref<1x1x8x128xi32, #tpu.memory_space<hbm>>
      %dma_start3A_453 = tpu.memref_squeeze %dma_start3A_452 : memref<1x1x8x128xi32, #tpu.memory_space<hbm>> -> memref<8x128xi32, #tpu.memory_space<hbm>>
      tpu.enqueue_dma source(%dma_start3A_453 : memref<8x128xi32, #tpu.memory_space<hbm>>) target(%arg5 : memref<8x128xi32, #tpu.memory_space<vmem>>) target_semaphore(%run_scoped3A : memref<!tpu.dma_semaphore, #tpu.memory_space<semaphore_mem>>)
      %dma_wait3A_454 = arith.constant 0 : i32
      %dma_wait3A_455 = arith.constant 0 : i32
      %dma_wait3A_456 = tpu.memref_slice %arg3[%arg0, %arg1, %dma_wait3A_454, %dma_wait3A_455] : memref<2x16x8x128xi32, #tpu.memory_space<hbm>> -> memref<1x1x8x128xi32, #tpu.memory_space<hbm>>
      %dma_wait3A_457 = tpu.memref_squeeze %dma_wait3A_456 : memref<1x1x8x128xi32, #tpu.memory_space<hbm>> -> memref<8x128xi32, #tpu.memory_space<hbm>>
      %dma_wait3A_458 = arith.constant 0 : i32
      %dma_wait3A_459 = arith.constant 0 : i32
      %dma_wait3A_460 = tpu.memref_slice %arg3[%arg0, %arg1, %dma_wait3A_458, %dma_wait3A_459] : memref<2x16x8x128xi32, #tpu.memory_space<hbm>> -> memref<1x1x8x128xi32, #tpu.memory_space<hbm>>
      %dma_wait3A_461 = tpu.memref_squeeze %dma_wait3A_460 : memref<1x1x8x128xi32, #tpu.memory_space<hbm>> -> memref<8x128xi32, #tpu.memory_space<hbm>>
      tpu.wait_dma2 semaphore(%run_scoped3A : memref<!tpu.dma_semaphore, #tpu.memory_space<semaphore_mem>>) src(%dma_wait3A_461 : memref<8x128xi32, #tpu.memory_space<hbm>>) dst(%arg5 : memref<8x128xi32, #tpu.memory_space<vmem>>)
      tpu.yield
    }) : () -> ()
    %dma_start3A = arith.constant 0 : i32
    %dma_start3A_1 = arith.constant 0 : i32
    %dma_start3A_2 = arith.constant 0 : i32
    %dma_start3A_3 = arith.constant 0 : i32
    %dma_start3A_4 = tpu.memref_slice %arg6[%dma_start3A_1, %dma_start3A_2, %dma_start3A_3] : memref<4x128x128xf32, #tpu.memory_space<vmem>> -> memref<1x128x128xf32, #tpu.memory_space<vmem>>
    %dma_start3A_5 = tpu.memref_squeeze %dma_start3A_4 : memref<1x128x128xf32, #tpu.memory_space<vmem>> -> memref<128x128xf32, #tpu.memory_space<vmem>>
    %dma_start3A_6 = arith.constant 0 : i32
    %dma_start3A_7 = tpu.memref_slice %arg5[%dma_start3A, %dma_start3A_6] : memref<8x128xi32, #tpu.memory_space<vmem>> -> memref<1x128xi32, #tpu.memory_space<vmem>>
    %dma_start3A_8 = tpu.memref_squeeze %dma_start3A_7 : memref<1x128xi32, #tpu.memory_space<vmem>> -> memref<128xi32, #tpu.memory_space<vmem>>
    %dma_start3A_9 = arith.constant 0 : i32
    %dma_start3A_10 = arith.constant 0 : i32
    %dma_start3A_11 = tpu.memref_slice %arg2[%dma_start3A_9, %dma_start3A_10] : memref<100001x128xf32, #tpu.memory_space<hbm>> -> memref<100001x128xf32, #tpu.memory_space<hbm>>
    tpu.enqueue_indirect_dma source(%dma_start3A_11 : memref<100001x128xf32, #tpu.memory_space<hbm>>) target(%dma_start3A_5 : memref<128x128xf32, #tpu.memory_space<vmem>>) offsets(%dma_start3A_8 : memref<128xi32, #tpu.memory_space<vmem>>) semaphore(%arg7 : memref<!tpu.dma_semaphore, #tpu.memory_space<semaphore_mem>>)
    %dma_start3A_12 = arith.constant 1 : i32
    %dma_start3A_13 = arith.constant 1 : i32
    %dma_start3A_14 = arith.constant 0 : i32
    %dma_start3A_15 = arith.constant 0 : i32
    %dma_start3A_16 = tpu.memref_slice %arg6[%dma_start3A_13, %dma_start3A_14, %dma_start3A_15] : memref<4x128x128xf32, #tpu.memory_space<vmem>> -> memref<1x128x128xf32, #tpu.memory_space<vmem>>
    %dma_start3A_17 = tpu.memref_squeeze %dma_start3A_16 : memref<1x128x128xf32, #tpu.memory_space<vmem>> -> memref<128x128xf32, #tpu.memory_space<vmem>>
    %dma_start3A_18 = arith.constant 0 : i32
    %dma_start3A_19 = tpu.memref_slice %arg5[%dma_start3A_12, %dma_start3A_18] : memref<8x128xi32, #tpu.memory_space<vmem>> -> memref<1x128xi32, #tpu.memory_space<vmem>>
    %dma_start3A_20 = tpu.memref_squeeze %dma_start3A_19 : memref<1x128xi32, #tpu.memory_space<vmem>> -> memref<128xi32, #tpu.memory_space<vmem>>
    %dma_start3A_21 = arith.constant 0 : i32
    %dma_start3A_22 = arith.constant 0 : i32
    %dma_start3A_23 = tpu.memref_slice %arg2[%dma_start3A_21, %dma_start3A_22] : memref<100001x128xf32, #tpu.memory_space<hbm>> -> memref<100001x128xf32, #tpu.memory_space<hbm>>
    tpu.enqueue_indirect_dma source(%dma_start3A_23 : memref<100001x128xf32, #tpu.memory_space<hbm>>) target(%dma_start3A_17 : memref<128x128xf32, #tpu.memory_space<vmem>>) offsets(%dma_start3A_20 : memref<128xi32, #tpu.memory_space<vmem>>) semaphore(%arg8 : memref<!tpu.dma_semaphore, #tpu.memory_space<semaphore_mem>>)
    %dma_start3A_24 = arith.constant 2 : i32
    %dma_start3A_25 = arith.constant 2 : i32
    %dma_start3A_26 = arith.constant 0 : i32
    %dma_start3A_27 = arith.constant 0 : i32
    %dma_start3A_28 = tpu.memref_slice %arg6[%dma_start3A_25, %dma_start3A_26, %dma_start3A_27] : memref<4x128x128xf32, #tpu.memory_space<vmem>> -> memref<1x128x128xf32, #tpu.memory_space<vmem>>
    %dma_start3A_29 = tpu.memref_squeeze %dma_start3A_28 : memref<1x128x128xf32, #tpu.memory_space<vmem>> -> memref<128x128xf32, #tpu.memory_space<vmem>>
    %dma_start3A_30 = arith.constant 0 : i32
    %dma_start3A_31 = tpu.memref_slice %arg5[%dma_start3A_24, %dma_start3A_30] : memref<8x128xi32, #tpu.memory_space<vmem>> -> memref<1x128xi32, #tpu.memory_space<vmem>>
    %dma_start3A_32 = tpu.memref_squeeze %dma_start3A_31 : memref<1x128xi32, #tpu.memory_space<vmem>> -> memref<128xi32, #tpu.memory_space<vmem>>
    %dma_start3A_33 = arith.constant 0 : i32
    %dma_start3A_34 = arith.constant 0 : i32
    %dma_start3A_35 = tpu.memref_slice %arg2[%dma_start3A_33, %dma_start3A_34] : memref<100001x128xf32, #tpu.memory_space<hbm>> -> memref<100001x128xf32, #tpu.memory_space<hbm>>
    tpu.enqueue_indirect_dma source(%dma_start3A_35 : memref<100001x128xf32, #tpu.memory_space<hbm>>) target(%dma_start3A_29 : memref<128x128xf32, #tpu.memory_space<vmem>>) offsets(%dma_start3A_32 : memref<128xi32, #tpu.memory_space<vmem>>) semaphore(%arg9 : memref<!tpu.dma_semaphore, #tpu.memory_space<semaphore_mem>>)
    %dma_wait3A = arith.constant 0 : i32
    %dma_wait3A_36 = arith.constant 0 : i32
    %dma_wait3A_37 = arith.constant 0 : i32
    %dma_wait3A_38 = arith.constant 0 : i32
    %dma_wait3A_39 = tpu.memref_slice %arg6[%dma_wait3A_36, %dma_wait3A_37, %dma_wait3A_38] : memref<4x128x128xf32, #tpu.memory_space<vmem>> -> memref<1x128x128xf32, #tpu.memory_space<vmem>>
    %dma_wait3A_40 = tpu.memref_squeeze %dma_wait3A_39 : memref<1x128x128xf32, #tpu.memory_space<vmem>> -> memref<128x128xf32, #tpu.memory_space<vmem>>
    %dma_wait3A_41 = arith.constant 0 : i32
    %dma_wait3A_42 = tpu.memref_slice %arg5[%dma_wait3A, %dma_wait3A_41] : memref<8x128xi32, #tpu.memory_space<vmem>> -> memref<1x128xi32, #tpu.memory_space<vmem>>
    %dma_wait3A_43 = tpu.memref_squeeze %dma_wait3A_42 : memref<1x128xi32, #tpu.memory_space<vmem>> -> memref<128xi32, #tpu.memory_space<vmem>>
    %dma_wait3A_44 = arith.constant 0 : i32
    %dma_wait3A_45 = arith.constant 0 : i32
    %dma_wait3A_46 = tpu.memref_slice %arg2[%dma_wait3A_44, %dma_wait3A_45] : memref<100001x128xf32, #tpu.memory_space<hbm>> -> memref<100001x128xf32, #tpu.memory_space<hbm>>
    tpu.wait_indirect_dma semaphore(%arg7 : memref<!tpu.dma_semaphore, #tpu.memory_space<semaphore_mem>>) src(%dma_wait3A_46 : memref<100001x128xf32, #tpu.memory_space<hbm>>) dst(%dma_wait3A_40 : memref<128x128xf32, #tpu.memory_space<vmem>>)
    %add3A = arith.constant 0 : i32
    %add3A_47 = arith.addi %mul3A_0, %add3A : i32
    %dma_start3A_48 = arith.constant 0 : i32
    %dma_start3A_49 = arith.constant 0 : i32
    %dma_start3A_50 = arith.constant 0 : i32
    %dma_start3A_51 = tpu.memref_slice %arg6[%dma_start3A_48, %dma_start3A_49, %dma_start3A_50] : memref<4x128x128xf32, #tpu.memory_space<vmem>> -> memref<1x128x128xf32, #tpu.memory_space<vmem>>
    %dma_start3A_52 = tpu.memref_squeeze %dma_start3A_51 : memref<1x128x128xf32, #tpu.memory_space<vmem>> -> memref<128x128xf32, #tpu.memory_space<vmem>>
    %dma_start3A_53 = arith.constant 0 : i32
    %dma_start3A_54 = tpu.memref_slice %arg4[%arg0, %add3A_47, %dma_start3A_53] : memref<2x16384x128xf32, #tpu.memory_space<hbm>> -> memref<1x128x128xf32, #tpu.memory_space<hbm>>
    %dma_start3A_55 = tpu.memref_squeeze %dma_start3A_54 : memref<1x128x128xf32, #tpu.memory_space<hbm>> -> memref<128x128xf32, #tpu.memory_space<hbm>>
    %dma_start3A_56 = arith.constant 0 : i32
    %dma_start3A_57 = tpu.memref_slice %arg4[%arg0, %add3A_47, %dma_start3A_56] : memref<2x16384x128xf32, #tpu.memory_space<hbm>> -> memref<1x128x128xf32, #tpu.memory_space<hbm>>
    %dma_start3A_58 = tpu.memref_squeeze %dma_start3A_57 : memref<1x128x128xf32, #tpu.memory_space<hbm>> -> memref<128x128xf32, #tpu.memory_space<hbm>>
    %dma_start3A_59 = arith.constant 0 : i32
    %dma_start3A_60 = arith.constant 0 : i32
    %dma_start3A_61 = tpu.memref_slice %arg6[%dma_start3A_48, %dma_start3A_59, %dma_start3A_60] : memref<4x128x128xf32, #tpu.memory_space<vmem>> -> memref<1x128x128xf32, #tpu.memory_space<vmem>>
    %dma_start3A_62 = tpu.memref_squeeze %dma_start3A_61 : memref<1x128x128xf32, #tpu.memory_space<vmem>> -> memref<128x128xf32, #tpu.memory_space<vmem>>
    tpu.enqueue_dma source(%dma_start3A_62 : memref<128x128xf32, #tpu.memory_space<vmem>>) target(%dma_start3A_58 : memref<128x128xf32, #tpu.memory_space<hbm>>) target_semaphore(%arg11 : memref<!tpu.dma_semaphore, #tpu.memory_space<semaphore_mem>>)
    %dma_start3A_63 = arith.constant 3 : i32
    %dma_start3A_64 = arith.constant 3 : i32
    %dma_start3A_65 = arith.constant 0 : i32
    %dma_start3A_66 = arith.constant 0 : i32
    %dma_start3A_67 = tpu.memref_slice %arg6[%dma_start3A_64, %dma_start3A_65, %dma_start3A_66] : memref<4x128x128xf32, #tpu.memory_space<vmem>> -> memref<1x128x128xf32, #tpu.memory_space<vmem>>
    %dma_start3A_68 = tpu.memref_squeeze %dma_start3A_67 : memref<1x128x128xf32, #tpu.memory_space<vmem>> -> memref<128x128xf32, #tpu.memory_space<vmem>>
    %dma_start3A_69 = arith.constant 0 : i32
    %dma_start3A_70 = tpu.memref_slice %arg5[%dma_start3A_63, %dma_start3A_69] : memref<8x128xi32, #tpu.memory_space<vmem>> -> memref<1x128xi32, #tpu.memory_space<vmem>>
    %dma_start3A_71 = tpu.memref_squeeze %dma_start3A_70 : memref<1x128xi32, #tpu.memory_space<vmem>> -> memref<128xi32, #tpu.memory_space<vmem>>
    %dma_start3A_72 = arith.constant 0 : i32
    %dma_start3A_73 = arith.constant 0 : i32
    %dma_start3A_74 = tpu.memref_slice %arg2[%dma_start3A_72, %dma_start3A_73] : memref<100001x128xf32, #tpu.memory_space<hbm>> -> memref<100001x128xf32, #tpu.memory_space<hbm>>
    tpu.enqueue_indirect_dma source(%dma_start3A_74 : memref<100001x128xf32, #tpu.memory_space<hbm>>) target(%dma_start3A_68 : memref<128x128xf32, #tpu.memory_space<vmem>>) offsets(%dma_start3A_71 : memref<128xi32, #tpu.memory_space<vmem>>) semaphore(%arg10 : memref<!tpu.dma_semaphore, #tpu.memory_space<semaphore_mem>>)
    %dma_wait3A_75 = arith.constant 1 : i32
    %dma_wait3A_76 = arith.constant 1 : i32
    %dma_wait3A_77 = arith.constant 0 : i32
    %dma_wait3A_78 = arith.constant 0 : i32
    %dma_wait3A_79 = tpu.memref_slice %arg6[%dma_wait3A_76, %dma_wait3A_77, %dma_wait3A_78] : memref<4x128x128xf32, #tpu.memory_space<vmem>> -> memref<1x128x128xf32, #tpu.memory_space<vmem>>
    %dma_wait3A_80 = tpu.memref_squeeze %dma_wait3A_79 : memref<1x128x128xf32, #tpu.memory_space<vmem>> -> memref<128x128xf32, #tpu.memory_space<vmem>>
    %dma_wait3A_81 = arith.constant 0 : i32
    %dma_wait3A_82 = tpu.memref_slice %arg5[%dma_wait3A_75, %dma_wait3A_81] : memref<8x128xi32, #tpu.memory_space<vmem>> -> memref<1x128xi32, #tpu.memory_space<vmem>>
    %dma_wait3A_83 = tpu.memref_squeeze %dma_wait3A_82 : memref<1x128xi32, #tpu.memory_space<vmem>> -> memref<128xi32, #tpu.memory_space<vmem>>
    %dma_wait3A_84 = arith.constant 0 : i32
    %dma_wait3A_85 = arith.constant 0 : i32
    %dma_wait3A_86 = tpu.memref_slice %arg2[%dma_wait3A_84, %dma_wait3A_85] : memref<100001x128xf32, #tpu.memory_space<hbm>> -> memref<100001x128xf32, #tpu.memory_space<hbm>>
    tpu.wait_indirect_dma semaphore(%arg8 : memref<!tpu.dma_semaphore, #tpu.memory_space<semaphore_mem>>) src(%dma_wait3A_86 : memref<100001x128xf32, #tpu.memory_space<hbm>>) dst(%dma_wait3A_80 : memref<128x128xf32, #tpu.memory_space<vmem>>)
    %add3A_87 = arith.constant 128 : i32
    %add3A_88 = arith.addi %mul3A_0, %add3A_87 : i32
    %dma_start3A_89 = arith.constant 1 : i32
    %dma_start3A_90 = arith.constant 0 : i32
    %dma_start3A_91 = arith.constant 0 : i32
    %dma_start3A_92 = tpu.memref_slice %arg6[%dma_start3A_89, %dma_start3A_90, %dma_start3A_91] : memref<4x128x128xf32, #tpu.memory_space<vmem>> -> memref<1x128x128xf32, #tpu.memory_space<vmem>>
    %dma_start3A_93 = tpu.memref_squeeze %dma_start3A_92 : memref<1x128x128xf32, #tpu.memory_space<vmem>> -> memref<128x128xf32, #tpu.memory_space<vmem>>
    %dma_start3A_94 = arith.constant 0 : i32
    %dma_start3A_95 = tpu.memref_slice %arg4[%arg0, %add3A_88, %dma_start3A_94] : memref<2x16384x128xf32, #tpu.memory_space<hbm>> -> memref<1x128x128xf32, #tpu.memory_space<hbm>>
    %dma_start3A_96 = tpu.memref_squeeze %dma_start3A_95 : memref<1x128x128xf32, #tpu.memory_space<hbm>> -> memref<128x128xf32, #tpu.memory_space<hbm>>
    %dma_start3A_97 = arith.constant 0 : i32
    %dma_start3A_98 = tpu.memref_slice %arg4[%arg0, %add3A_88, %dma_start3A_97] : memref<2x16384x128xf32, #tpu.memory_space<hbm>> -> memref<1x128x128xf32, #tpu.memory_space<hbm>>
    %dma_start3A_99 = tpu.memref_squeeze %dma_start3A_98 : memref<1x128x128xf32, #tpu.memory_space<hbm>> -> memref<128x128xf32, #tpu.memory_space<hbm>>
    %dma_start3A_100 = arith.constant 0 : i32
    %dma_start3A_101 = arith.constant 0 : i32
    %dma_start3A_102 = tpu.memref_slice %arg6[%dma_start3A_89, %dma_start3A_100, %dma_start3A_101] : memref<4x128x128xf32, #tpu.memory_space<vmem>> -> memref<1x128x128xf32, #tpu.memory_space<vmem>>
    %dma_start3A_103 = tpu.memref_squeeze %dma_start3A_102 : memref<1x128x128xf32, #tpu.memory_space<vmem>> -> memref<128x128xf32, #tpu.memory_space<vmem>>
    tpu.enqueue_dma source(%dma_start3A_103 : memref<128x128xf32, #tpu.memory_space<vmem>>) target(%dma_start3A_99 : memref<128x128xf32, #tpu.memory_space<hbm>>) target_semaphore(%arg12 : memref<!tpu.dma_semaphore, #tpu.memory_space<semaphore_mem>>)
    %dma_wait3A_104 = arith.constant 0 : i32
    %dma_wait3A_105 = arith.constant 0 : i32
    %dma_wait3A_106 = arith.constant 0 : i32
    %dma_wait3A_107 = tpu.memref_slice %arg6[%dma_wait3A_104, %dma_wait3A_105, %dma_wait3A_106] : memref<4x128x128xf32, #tpu.memory_space<vmem>> -> memref<1x128x128xf32, #tpu.memory_space<vmem>>
    %dma_wait3A_108 = tpu.memref_squeeze %dma_wait3A_107 : memref<1x128x128xf32, #tpu.memory_space<vmem>> -> memref<128x128xf32, #tpu.memory_space<vmem>>
    %dma_wait3A_109 = arith.constant 0 : i32
    %dma_wait3A_110 = tpu.memref_slice %arg4[%arg0, %add3A_47, %dma_wait3A_109] : memref<2x16384x128xf32, #tpu.memory_space<hbm>> -> memref<1x128x128xf32, #tpu.memory_space<hbm>>
    %dma_wait3A_111 = tpu.memref_squeeze %dma_wait3A_110 : memref<1x128x128xf32, #tpu.memory_space<hbm>> -> memref<128x128xf32, #tpu.memory_space<hbm>>
    %dma_wait3A_112 = arith.constant 0 : i32
    %dma_wait3A_113 = tpu.memref_slice %arg4[%arg0, %add3A_47, %dma_wait3A_112] : memref<2x16384x128xf32, #tpu.memory_space<hbm>> -> memref<1x128x128xf32, #tpu.memory_space<hbm>>
    %dma_wait3A_114 = tpu.memref_squeeze %dma_wait3A_113 : memref<1x128x128xf32, #tpu.memory_space<hbm>> -> memref<128x128xf32, #tpu.memory_space<hbm>>
    %dma_wait3A_115 = arith.constant 0 : i32
    %dma_wait3A_116 = arith.constant 0 : i32
    %dma_wait3A_117 = tpu.memref_slice %arg6[%dma_wait3A_104, %dma_wait3A_115, %dma_wait3A_116] : memref<4x128x128xf32, #tpu.memory_space<vmem>> -> memref<1x128x128xf32, #tpu.memory_space<vmem>>
    %dma_wait3A_118 = tpu.memref_squeeze %dma_wait3A_117 : memref<1x128x128xf32, #tpu.memory_space<vmem>> -> memref<128x128xf32, #tpu.memory_space<vmem>>
    tpu.wait_dma2 semaphore(%arg11 : memref<!tpu.dma_semaphore, #tpu.memory_space<semaphore_mem>>) src(%dma_wait3A_118 : memref<128x128xf32, #tpu.memory_space<vmem>>) dst(%dma_wait3A_114 : memref<128x128xf32, #tpu.memory_space<hbm>>)
    %dma_start3A_119 = arith.constant 4 : i32
    %dma_start3A_120 = arith.constant 0 : i32
    %dma_start3A_121 = arith.constant 0 : i32
    %dma_start3A_122 = arith.constant 0 : i32
    %dma_start3A_123 = tpu.memref_slice %arg6[%dma_start3A_120, %dma_start3A_121, %dma_start3A_122] : memref<4x128x128xf32, #tpu.memory_space<vmem>> -> memref<1x128x128xf32, #tpu.memory_space<vmem>>
    %dma_start3A_124 = tpu.memref_squeeze %dma_start3A_123 : memref<1x128x128xf32, #tpu.memory_space<vmem>> -> memref<128x128xf32, #tpu.memory_space<vmem>>
    %dma_start3A_125 = arith.constant 0 : i32
    %dma_start3A_126 = tpu.memref_slice %arg5[%dma_start3A_119, %dma_start3A_125] : memref<8x128xi32, #tpu.memory_space<vmem>> -> memref<1x128xi32, #tpu.memory_space<vmem>>
    %dma_start3A_127 = tpu.memref_squeeze %dma_start3A_126 : memref<1x128xi32, #tpu.memory_space<vmem>> -> memref<128xi32, #tpu.memory_space<vmem>>
    %dma_start3A_128 = arith.constant 0 : i32
    %dma_start3A_129 = arith.constant 0 : i32
    %dma_start3A_130 = tpu.memref_slice %arg2[%dma_start3A_128, %dma_start3A_129] : memref<100001x128xf32, #tpu.memory_space<hbm>> -> memref<100001x128xf32, #tpu.memory_space<hbm>>
    tpu.enqueue_indirect_dma source(%dma_start3A_130 : memref<100001x128xf32, #tpu.memory_space<hbm>>) target(%dma_start3A_124 : memref<128x128xf32, #tpu.memory_space<vmem>>) offsets(%dma_start3A_127 : memref<128xi32, #tpu.memory_space<vmem>>) semaphore(%arg7 : memref<!tpu.dma_semaphore, #tpu.memory_space<semaphore_mem>>)
    %dma_wait3A_131 = arith.constant 2 : i32
    %dma_wait3A_132 = arith.constant 2 : i32
    %dma_wait3A_133 = arith.constant 0 : i32
    %dma_wait3A_134 = arith.constant 0 : i32
    %dma_wait3A_135 = tpu.memref_slice %arg6[%dma_wait3A_132, %dma_wait3A_133, %dma_wait3A_134] : memref<4x128x128xf32, #tpu.memory_space<vmem>> -> memref<1x128x128xf32, #tpu.memory_space<vmem>>
    %dma_wait3A_136 = tpu.memref_squeeze %dma_wait3A_135 : memref<1x128x128xf32, #tpu.memory_space<vmem>> -> memref<128x128xf32, #tpu.memory_space<vmem>>
    %dma_wait3A_137 = arith.constant 0 : i32
    %dma_wait3A_138 = tpu.memref_slice %arg5[%dma_wait3A_131, %dma_wait3A_137] : memref<8x128xi32, #tpu.memory_space<vmem>> -> memref<1x128xi32, #tpu.memory_space<vmem>>
    %dma_wait3A_139 = tpu.memref_squeeze %dma_wait3A_138 : memref<1x128xi32, #tpu.memory_space<vmem>> -> memref<128xi32, #tpu.memory_space<vmem>>
    %dma_wait3A_140 = arith.constant 0 : i32
    %dma_wait3A_141 = arith.constant 0 : i32
    %dma_wait3A_142 = tpu.memref_slice %arg2[%dma_wait3A_140, %dma_wait3A_141] : memref<100001x128xf32, #tpu.memory_space<hbm>> -> memref<100001x128xf32, #tpu.memory_space<hbm>>
    tpu.wait_indirect_dma semaphore(%arg9 : memref<!tpu.dma_semaphore, #tpu.memory_space<semaphore_mem>>) src(%dma_wait3A_142 : memref<100001x128xf32, #tpu.memory_space<hbm>>) dst(%dma_wait3A_136 : memref<128x128xf32, #tpu.memory_space<vmem>>)
    %add3A_143 = arith.constant 256 : i32
    %add3A_144 = arith.addi %mul3A_0, %add3A_143 : i32
    %dma_start3A_145 = arith.constant 2 : i32
    %dma_start3A_146 = arith.constant 0 : i32
    %dma_start3A_147 = arith.constant 0 : i32
    %dma_start3A_148 = tpu.memref_slice %arg6[%dma_start3A_145, %dma_start3A_146, %dma_start3A_147] : memref<4x128x128xf32, #tpu.memory_space<vmem>> -> memref<1x128x128xf32, #tpu.memory_space<vmem>>
    %dma_start3A_149 = tpu.memref_squeeze %dma_start3A_148 : memref<1x128x128xf32, #tpu.memory_space<vmem>> -> memref<128x128xf32, #tpu.memory_space<vmem>>
    %dma_start3A_150 = arith.constant 0 : i32
    %dma_start3A_151 = tpu.memref_slice %arg4[%arg0, %add3A_144, %dma_start3A_150] : memref<2x16384x128xf32, #tpu.memory_space<hbm>> -> memref<1x128x128xf32, #tpu.memory_space<hbm>>
    %dma_start3A_152 = tpu.memref_squeeze %dma_start3A_151 : memref<1x128x128xf32, #tpu.memory_space<hbm>> -> memref<128x128xf32, #tpu.memory_space<hbm>>
    %dma_start3A_153 = arith.constant 0 : i32
    %dma_start3A_154 = tpu.memref_slice %arg4[%arg0, %add3A_144, %dma_start3A_153] : memref<2x16384x128xf32, #tpu.memory_space<hbm>> -> memref<1x128x128xf32, #tpu.memory_space<hbm>>
    %dma_start3A_155 = tpu.memref_squeeze %dma_start3A_154 : memref<1x128x128xf32, #tpu.memory_space<hbm>> -> memref<128x128xf32, #tpu.memory_space<hbm>>
    %dma_start3A_156 = arith.constant 0 : i32
    %dma_start3A_157 = arith.constant 0 : i32
    %dma_start3A_158 = tpu.memref_slice %arg6[%dma_start3A_145, %dma_start3A_156, %dma_start3A_157] : memref<4x128x128xf32, #tpu.memory_space<vmem>> -> memref<1x128x128xf32, #tpu.memory_space<vmem>>
    %dma_start3A_159 = tpu.memref_squeeze %dma_start3A_158 : memref<1x128x128xf32, #tpu.memory_space<vmem>> -> memref<128x128xf32, #tpu.memory_space<vmem>>
    tpu.enqueue_dma source(%dma_start3A_159 : memref<128x128xf32, #tpu.memory_space<vmem>>) target(%dma_start3A_155 : memref<128x128xf32, #tpu.memory_space<hbm>>) target_semaphore(%arg13 : memref<!tpu.dma_semaphore, #tpu.memory_space<semaphore_mem>>)
    %dma_wait3A_160 = arith.constant 1 : i32
    %dma_wait3A_161 = arith.constant 0 : i32
    %dma_wait3A_162 = arith.constant 0 : i32
    %dma_wait3A_163 = tpu.memref_slice %arg6[%dma_wait3A_160, %dma_wait3A_161, %dma_wait3A_162] : memref<4x128x128xf32, #tpu.memory_space<vmem>> -> memref<1x128x128xf32, #tpu.memory_space<vmem>>
    %dma_wait3A_164 = tpu.memref_squeeze %dma_wait3A_163 : memref<1x128x128xf32, #tpu.memory_space<vmem>> -> memref<128x128xf32, #tpu.memory_space<vmem>>
    %dma_wait3A_165 = arith.constant 0 : i32
    %dma_wait3A_166 = tpu.memref_slice %arg4[%arg0, %add3A_88, %dma_wait3A_165] : memref<2x16384x128xf32, #tpu.memory_space<hbm>> -> memref<1x128x128xf32, #tpu.memory_space<hbm>>
    %dma_wait3A_167 = tpu.memref_squeeze %dma_wait3A_166 : memref<1x128x128xf32, #tpu.memory_space<hbm>> -> memref<128x128xf32, #tpu.memory_space<hbm>>
    %dma_wait3A_168 = arith.constant 0 : i32
    %dma_wait3A_169 = tpu.memref_slice %arg4[%arg0, %add3A_88, %dma_wait3A_168] : memref<2x16384x128xf32, #tpu.memory_space<hbm>> -> memref<1x128x128xf32, #tpu.memory_space<hbm>>
    %dma_wait3A_170 = tpu.memref_squeeze %dma_wait3A_169 : memref<1x128x128xf32, #tpu.memory_space<hbm>> -> memref<128x128xf32, #tpu.memory_space<hbm>>
    %dma_wait3A_171 = arith.constant 0 : i32
    %dma_wait3A_172 = arith.constant 0 : i32
    %dma_wait3A_173 = tpu.memref_slice %arg6[%dma_wait3A_160, %dma_wait3A_171, %dma_wait3A_172] : memref<4x128x128xf32, #tpu.memory_space<vmem>> -> memref<1x128x128xf32, #tpu.memory_space<vmem>>
    %dma_wait3A_174 = tpu.memref_squeeze %dma_wait3A_173 : memref<1x128x128xf32, #tpu.memory_space<vmem>> -> memref<128x128xf32, #tpu.memory_space<vmem>>
    tpu.wait_dma2 semaphore(%arg12 : memref<!tpu.dma_semaphore, #tpu.memory_space<semaphore_mem>>) src(%dma_wait3A_174 : memref<128x128xf32, #tpu.memory_space<vmem>>) dst(%dma_wait3A_170 : memref<128x128xf32, #tpu.memory_space<hbm>>)
    %dma_start3A_175 = arith.constant 5 : i32
    %dma_start3A_176 = arith.constant 1 : i32
    %dma_start3A_177 = arith.constant 0 : i32
    %dma_start3A_178 = arith.constant 0 : i32
    %dma_start3A_179 = tpu.memref_slice %arg6[%dma_start3A_176, %dma_start3A_177, %dma_start3A_178] : memref<4x128x128xf32, #tpu.memory_space<vmem>> -> memref<1x128x128xf32, #tpu.memory_space<vmem>>
    %dma_start3A_180 = tpu.memref_squeeze %dma_start3A_179 : memref<1x128x128xf32, #tpu.memory_space<vmem>> -> memref<128x128xf32, #tpu.memory_space<vmem>>
    %dma_start3A_181 = arith.constant 0 : i32
    %dma_start3A_182 = tpu.memref_slice %arg5[%dma_start3A_175, %dma_start3A_181] : memref<8x128xi32, #tpu.memory_space<vmem>> -> memref<1x128xi32, #tpu.memory_space<vmem>>
    %dma_start3A_183 = tpu.memref_squeeze %dma_start3A_182 : memref<1x128xi32, #tpu.memory_space<vmem>> -> memref<128xi32, #tpu.memory_space<vmem>>
    %dma_start3A_184 = arith.constant 0 : i32
    %dma_start3A_185 = arith.constant 0 : i32
    %dma_start3A_186 = tpu.memref_slice %arg2[%dma_start3A_184, %dma_start3A_185] : memref<100001x128xf32, #tpu.memory_space<hbm>> -> memref<100001x128xf32, #tpu.memory_space<hbm>>
    tpu.enqueue_indirect_dma source(%dma_start3A_186 : memref<100001x128xf32, #tpu.memory_space<hbm>>) target(%dma_start3A_180 : memref<128x128xf32, #tpu.memory_space<vmem>>) offsets(%dma_start3A_183 : memref<128xi32, #tpu.memory_space<vmem>>) semaphore(%arg8 : memref<!tpu.dma_semaphore, #tpu.memory_space<semaphore_mem>>)
    %dma_wait3A_187 = arith.constant 3 : i32
    %dma_wait3A_188 = arith.constant 3 : i32
    %dma_wait3A_189 = arith.constant 0 : i32
    %dma_wait3A_190 = arith.constant 0 : i32
    %dma_wait3A_191 = tpu.memref_slice %arg6[%dma_wait3A_188, %dma_wait3A_189, %dma_wait3A_190] : memref<4x128x128xf32, #tpu.memory_space<vmem>> -> memref<1x128x128xf32, #tpu.memory_space<vmem>>
    %dma_wait3A_192 = tpu.memref_squeeze %dma_wait3A_191 : memref<1x128x128xf32, #tpu.memory_space<vmem>> -> memref<128x128xf32, #tpu.memory_space<vmem>>
    %dma_wait3A_193 = arith.constant 0 : i32
    %dma_wait3A_194 = tpu.memref_slice %arg5[%dma_wait3A_187, %dma_wait3A_193] : memref<8x128xi32, #tpu.memory_space<vmem>> -> memref<1x128xi32, #tpu.memory_space<vmem>>
    %dma_wait3A_195 = tpu.memref_squeeze %dma_wait3A_194 : memref<1x128xi32, #tpu.memory_space<vmem>> -> memref<128xi32, #tpu.memory_space<vmem>>
    %dma_wait3A_196 = arith.constant 0 : i32
    %dma_wait3A_197 = arith.constant 0 : i32
    %dma_wait3A_198 = tpu.memref_slice %arg2[%dma_wait3A_196, %dma_wait3A_197] : memref<100001x128xf32, #tpu.memory_space<hbm>> -> memref<100001x128xf32, #tpu.memory_space<hbm>>
    tpu.wait_indirect_dma semaphore(%arg10 : memref<!tpu.dma_semaphore, #tpu.memory_space<semaphore_mem>>) src(%dma_wait3A_198 : memref<100001x128xf32, #tpu.memory_space<hbm>>) dst(%dma_wait3A_192 : memref<128x128xf32, #tpu.memory_space<vmem>>)
    %add3A_199 = arith.constant 384 : i32
    %add3A_200 = arith.addi %mul3A_0, %add3A_199 : i32
    %dma_start3A_201 = arith.constant 3 : i32
    %dma_start3A_202 = arith.constant 0 : i32
    %dma_start3A_203 = arith.constant 0 : i32
    %dma_start3A_204 = tpu.memref_slice %arg6[%dma_start3A_201, %dma_start3A_202, %dma_start3A_203] : memref<4x128x128xf32, #tpu.memory_space<vmem>> -> memref<1x128x128xf32, #tpu.memory_space<vmem>>
    %dma_start3A_205 = tpu.memref_squeeze %dma_start3A_204 : memref<1x128x128xf32, #tpu.memory_space<vmem>> -> memref<128x128xf32, #tpu.memory_space<vmem>>
    %dma_start3A_206 = arith.constant 0 : i32
    %dma_start3A_207 = tpu.memref_slice %arg4[%arg0, %add3A_200, %dma_start3A_206] : memref<2x16384x128xf32, #tpu.memory_space<hbm>> -> memref<1x128x128xf32, #tpu.memory_space<hbm>>
    %dma_start3A_208 = tpu.memref_squeeze %dma_start3A_207 : memref<1x128x128xf32, #tpu.memory_space<hbm>> -> memref<128x128xf32, #tpu.memory_space<hbm>>
    %dma_start3A_209 = arith.constant 0 : i32
    %dma_start3A_210 = tpu.memref_slice %arg4[%arg0, %add3A_200, %dma_start3A_209] : memref<2x16384x128xf32, #tpu.memory_space<hbm>> -> memref<1x128x128xf32, #tpu.memory_space<hbm>>
    %dma_start3A_211 = tpu.memref_squeeze %dma_start3A_210 : memref<1x128x128xf32, #tpu.memory_space<hbm>> -> memref<128x128xf32, #tpu.memory_space<hbm>>
    %dma_start3A_212 = arith.constant 0 : i32
    %dma_start3A_213 = arith.constant 0 : i32
    %dma_start3A_214 = tpu.memref_slice %arg6[%dma_start3A_201, %dma_start3A_212, %dma_start3A_213] : memref<4x128x128xf32, #tpu.memory_space<vmem>> -> memref<1x128x128xf32, #tpu.memory_space<vmem>>
    %dma_start3A_215 = tpu.memref_squeeze %dma_start3A_214 : memref<1x128x128xf32, #tpu.memory_space<vmem>> -> memref<128x128xf32, #tpu.memory_space<vmem>>
    tpu.enqueue_dma source(%dma_start3A_215 : memref<128x128xf32, #tpu.memory_space<vmem>>) target(%dma_start3A_211 : memref<128x128xf32, #tpu.memory_space<hbm>>) target_semaphore(%arg14 : memref<!tpu.dma_semaphore, #tpu.memory_space<semaphore_mem>>)
    %dma_wait3A_216 = arith.constant 2 : i32
    %dma_wait3A_217 = arith.constant 0 : i32
    %dma_wait3A_218 = arith.constant 0 : i32
    %dma_wait3A_219 = tpu.memref_slice %arg6[%dma_wait3A_216, %dma_wait3A_217, %dma_wait3A_218] : memref<4x128x128xf32, #tpu.memory_space<vmem>> -> memref<1x128x128xf32, #tpu.memory_space<vmem>>
    %dma_wait3A_220 = tpu.memref_squeeze %dma_wait3A_219 : memref<1x128x128xf32, #tpu.memory_space<vmem>> -> memref<128x128xf32, #tpu.memory_space<vmem>>
    %dma_wait3A_221 = arith.constant 0 : i32
    %dma_wait3A_222 = tpu.memref_slice %arg4[%arg0, %add3A_144, %dma_wait3A_221] : memref<2x16384x128xf32, #tpu.memory_space<hbm>> -> memref<1x128x128xf32, #tpu.memory_space<hbm>>
    %dma_wait3A_223 = tpu.memref_squeeze %dma_wait3A_222 : memref<1x128x128xf32, #tpu.memory_space<hbm>> -> memref<128x128xf32, #tpu.memory_space<hbm>>
    %dma_wait3A_224 = arith.constant 0 : i32
    %dma_wait3A_225 = tpu.memref_slice %arg4[%arg0, %add3A_144, %dma_wait3A_224] : memref<2x16384x128xf32, #tpu.memory_space<hbm>> -> memref<1x128x128xf32, #tpu.memory_space<hbm>>
    %dma_wait3A_226 = tpu.memref_squeeze %dma_wait3A_225 : memref<1x128x128xf32, #tpu.memory_space<hbm>> -> memref<128x128xf32, #tpu.memory_space<hbm>>
    %dma_wait3A_227 = arith.constant 0 : i32
    %dma_wait3A_228 = arith.constant 0 : i32
    %dma_wait3A_229 = tpu.memref_slice %arg6[%dma_wait3A_216, %dma_wait3A_227, %dma_wait3A_228] : memref<4x128x128xf32, #tpu.memory_space<vmem>> -> memref<1x128x128xf32, #tpu.memory_space<vmem>>
    %dma_wait3A_230 = tpu.memref_squeeze %dma_wait3A_229 : memref<1x128x128xf32, #tpu.memory_space<vmem>> -> memref<128x128xf32, #tpu.memory_space<vmem>>
    tpu.wait_dma2 semaphore(%arg13 : memref<!tpu.dma_semaphore, #tpu.memory_space<semaphore_mem>>) src(%dma_wait3A_230 : memref<128x128xf32, #tpu.memory_space<vmem>>) dst(%dma_wait3A_226 : memref<128x128xf32, #tpu.memory_space<hbm>>)
    %dma_start3A_231 = arith.constant 6 : i32
    %dma_start3A_232 = arith.constant 2 : i32
    %dma_start3A_233 = arith.constant 0 : i32
    %dma_start3A_234 = arith.constant 0 : i32
    %dma_start3A_235 = tpu.memref_slice %arg6[%dma_start3A_232, %dma_start3A_233, %dma_start3A_234] : memref<4x128x128xf32, #tpu.memory_space<vmem>> -> memref<1x128x128xf32, #tpu.memory_space<vmem>>
    %dma_start3A_236 = tpu.memref_squeeze %dma_start3A_235 : memref<1x128x128xf32, #tpu.memory_space<vmem>> -> memref<128x128xf32, #tpu.memory_space<vmem>>
    %dma_start3A_237 = arith.constant 0 : i32
    %dma_start3A_238 = tpu.memref_slice %arg5[%dma_start3A_231, %dma_start3A_237] : memref<8x128xi32, #tpu.memory_space<vmem>> -> memref<1x128xi32, #tpu.memory_space<vmem>>
    %dma_start3A_239 = tpu.memref_squeeze %dma_start3A_238 : memref<1x128xi32, #tpu.memory_space<vmem>> -> memref<128xi32, #tpu.memory_space<vmem>>
    %dma_start3A_240 = arith.constant 0 : i32
    %dma_start3A_241 = arith.constant 0 : i32
    %dma_start3A_242 = tpu.memref_slice %arg2[%dma_start3A_240, %dma_start3A_241] : memref<100001x128xf32, #tpu.memory_space<hbm>> -> memref<100001x128xf32, #tpu.memory_space<hbm>>
    tpu.enqueue_indirect_dma source(%dma_start3A_242 : memref<100001x128xf32, #tpu.memory_space<hbm>>) target(%dma_start3A_236 : memref<128x128xf32, #tpu.memory_space<vmem>>) offsets(%dma_start3A_239 : memref<128xi32, #tpu.memory_space<vmem>>) semaphore(%arg9 : memref<!tpu.dma_semaphore, #tpu.memory_space<semaphore_mem>>)
    %dma_wait3A_243 = arith.constant 4 : i32
    %dma_wait3A_244 = arith.constant 0 : i32
    %dma_wait3A_245 = arith.constant 0 : i32
    %dma_wait3A_246 = arith.constant 0 : i32
    %dma_wait3A_247 = tpu.memref_slice %arg6[%dma_wait3A_244, %dma_wait3A_245, %dma_wait3A_246] : memref<4x128x128xf32, #tpu.memory_space<vmem>> -> memref<1x128x128xf32, #tpu.memory_space<vmem>>
    %dma_wait3A_248 = tpu.memref_squeeze %dma_wait3A_247 : memref<1x128x128xf32, #tpu.memory_space<vmem>> -> memref<128x128xf32, #tpu.memory_space<vmem>>
    %dma_wait3A_249 = arith.constant 0 : i32
    %dma_wait3A_250 = tpu.memref_slice %arg5[%dma_wait3A_243, %dma_wait3A_249] : memref<8x128xi32, #tpu.memory_space<vmem>> -> memref<1x128xi32, #tpu.memory_space<vmem>>
    %dma_wait3A_251 = tpu.memref_squeeze %dma_wait3A_250 : memref<1x128xi32, #tpu.memory_space<vmem>> -> memref<128xi32, #tpu.memory_space<vmem>>
    %dma_wait3A_252 = arith.constant 0 : i32
    %dma_wait3A_253 = arith.constant 0 : i32
    %dma_wait3A_254 = tpu.memref_slice %arg2[%dma_wait3A_252, %dma_wait3A_253] : memref<100001x128xf32, #tpu.memory_space<hbm>> -> memref<100001x128xf32, #tpu.memory_space<hbm>>
    tpu.wait_indirect_dma semaphore(%arg7 : memref<!tpu.dma_semaphore, #tpu.memory_space<semaphore_mem>>) src(%dma_wait3A_254 : memref<100001x128xf32, #tpu.memory_space<hbm>>) dst(%dma_wait3A_248 : memref<128x128xf32, #tpu.memory_space<vmem>>)
    %add3A_255 = arith.constant 512 : i32
    %add3A_256 = arith.addi %mul3A_0, %add3A_255 : i32
    %dma_start3A_257 = arith.constant 0 : i32
    %dma_start3A_258 = arith.constant 0 : i32
    %dma_start3A_259 = arith.constant 0 : i32
    %dma_start3A_260 = tpu.memref_slice %arg6[%dma_start3A_257, %dma_start3A_258, %dma_start3A_259] : memref<4x128x128xf32, #tpu.memory_space<vmem>> -> memref<1x128x128xf32, #tpu.memory_space<vmem>>
    %dma_start3A_261 = tpu.memref_squeeze %dma_start3A_260 : memref<1x128x128xf32, #tpu.memory_space<vmem>> -> memref<128x128xf32, #tpu.memory_space<vmem>>
    %dma_start3A_262 = arith.constant 0 : i32
    %dma_start3A_263 = tpu.memref_slice %arg4[%arg0, %add3A_256, %dma_start3A_262] : memref<2x16384x128xf32, #tpu.memory_space<hbm>> -> memref<1x128x128xf32, #tpu.memory_space<hbm>>
    %dma_start3A_264 = tpu.memref_squeeze %dma_start3A_263 : memref<1x128x128xf32, #tpu.memory_space<hbm>> -> memref<128x128xf32, #tpu.memory_space<hbm>>
    %dma_start3A_265 = arith.constant 0 : i32
    %dma_start3A_266 = tpu.memref_slice %arg4[%arg0, %add3A_256, %dma_start3A_265] : memref<2x16384x128xf32, #tpu.memory_space<hbm>> -> memref<1x128x128xf32, #tpu.memory_space<hbm>>
    %dma_start3A_267 = tpu.memref_squeeze %dma_start3A_266 : memref<1x128x128xf32, #tpu.memory_space<hbm>> -> memref<128x128xf32, #tpu.memory_space<hbm>>
    %dma_start3A_268 = arith.constant 0 : i32
    %dma_start3A_269 = arith.constant 0 : i32
    %dma_start3A_270 = tpu.memref_slice %arg6[%dma_start3A_257, %dma_start3A_268, %dma_start3A_269] : memref<4x128x128xf32, #tpu.memory_space<vmem>> -> memref<1x128x128xf32, #tpu.memory_space<vmem>>
    %dma_start3A_271 = tpu.memref_squeeze %dma_start3A_270 : memref<1x128x128xf32, #tpu.memory_space<vmem>> -> memref<128x128xf32, #tpu.memory_space<vmem>>
    tpu.enqueue_dma source(%dma_start3A_271 : memref<128x128xf32, #tpu.memory_space<vmem>>) target(%dma_start3A_267 : memref<128x128xf32, #tpu.memory_space<hbm>>) target_semaphore(%arg11 : memref<!tpu.dma_semaphore, #tpu.memory_space<semaphore_mem>>)
    %dma_wait3A_272 = arith.constant 3 : i32
    %dma_wait3A_273 = arith.constant 0 : i32
    %dma_wait3A_274 = arith.constant 0 : i32
    %dma_wait3A_275 = tpu.memref_slice %arg6[%dma_wait3A_272, %dma_wait3A_273, %dma_wait3A_274] : memref<4x128x128xf32, #tpu.memory_space<vmem>> -> memref<1x128x128xf32, #tpu.memory_space<vmem>>
    %dma_wait3A_276 = tpu.memref_squeeze %dma_wait3A_275 : memref<1x128x128xf32, #tpu.memory_space<vmem>> -> memref<128x128xf32, #tpu.memory_space<vmem>>
    %dma_wait3A_277 = arith.constant 0 : i32
    %dma_wait3A_278 = tpu.memref_slice %arg4[%arg0, %add3A_200, %dma_wait3A_277] : memref<2x16384x128xf32, #tpu.memory_space<hbm>> -> memref<1x128x128xf32, #tpu.memory_space<hbm>>
    %dma_wait3A_279 = tpu.memref_squeeze %dma_wait3A_278 : memref<1x128x128xf32, #tpu.memory_space<hbm>> -> memref<128x128xf32, #tpu.memory_space<hbm>>
    %dma_wait3A_280 = arith.constant 0 : i32
    %dma_wait3A_281 = tpu.memref_slice %arg4[%arg0, %add3A_200, %dma_wait3A_280] : memref<2x16384x128xf32, #tpu.memory_space<hbm>> -> memref<1x128x128xf32, #tpu.memory_space<hbm>>
    %dma_wait3A_282 = tpu.memref_squeeze %dma_wait3A_281 : memref<1x128x128xf32, #tpu.memory_space<hbm>> -> memref<128x128xf32, #tpu.memory_space<hbm>>
    %dma_wait3A_283 = arith.constant 0 : i32
    %dma_wait3A_284 = arith.constant 0 : i32
    %dma_wait3A_285 = tpu.memref_slice %arg6[%dma_wait3A_272, %dma_wait3A_283, %dma_wait3A_284] : memref<4x128x128xf32, #tpu.memory_space<vmem>> -> memref<1x128x128xf32, #tpu.memory_space<vmem>>
    %dma_wait3A_286 = tpu.memref_squeeze %dma_wait3A_285 : memref<1x128x128xf32, #tpu.memory_space<vmem>> -> memref<128x128xf32, #tpu.memory_space<vmem>>
    tpu.wait_dma2 semaphore(%arg14 : memref<!tpu.dma_semaphore, #tpu.memory_space<semaphore_mem>>) src(%dma_wait3A_286 : memref<128x128xf32, #tpu.memory_space<vmem>>) dst(%dma_wait3A_282 : memref<128x128xf32, #tpu.memory_space<hbm>>)
    %dma_start3A_287 = arith.constant 7 : i32
    %dma_start3A_288 = arith.constant 3 : i32
    %dma_start3A_289 = arith.constant 0 : i32
    %dma_start3A_290 = arith.constant 0 : i32
    %dma_start3A_291 = tpu.memref_slice %arg6[%dma_start3A_288, %dma_start3A_289, %dma_start3A_290] : memref<4x128x128xf32, #tpu.memory_space<vmem>> -> memref<1x128x128xf32, #tpu.memory_space<vmem>>
    %dma_start3A_292 = tpu.memref_squeeze %dma_start3A_291 : memref<1x128x128xf32, #tpu.memory_space<vmem>> -> memref<128x128xf32, #tpu.memory_space<vmem>>
    %dma_start3A_293 = arith.constant 0 : i32
    %dma_start3A_294 = tpu.memref_slice %arg5[%dma_start3A_287, %dma_start3A_293] : memref<8x128xi32, #tpu.memory_space<vmem>> -> memref<1x128xi32, #tpu.memory_space<vmem>>
    %dma_start3A_295 = tpu.memref_squeeze %dma_start3A_294 : memref<1x128xi32, #tpu.memory_space<vmem>> -> memref<128xi32, #tpu.memory_space<vmem>>
    %dma_start3A_296 = arith.constant 0 : i32
    %dma_start3A_297 = arith.constant 0 : i32
    %dma_start3A_298 = tpu.memref_slice %arg2[%dma_start3A_296, %dma_start3A_297] : memref<100001x128xf32, #tpu.memory_space<hbm>> -> memref<100001x128xf32, #tpu.memory_space<hbm>>
    tpu.enqueue_indirect_dma source(%dma_start3A_298 : memref<100001x128xf32, #tpu.memory_space<hbm>>) target(%dma_start3A_292 : memref<128x128xf32, #tpu.memory_space<vmem>>) offsets(%dma_start3A_295 : memref<128xi32, #tpu.memory_space<vmem>>) semaphore(%arg10 : memref<!tpu.dma_semaphore, #tpu.memory_space<semaphore_mem>>)
    %dma_wait3A_299 = arith.constant 5 : i32
    %dma_wait3A_300 = arith.constant 1 : i32
    %dma_wait3A_301 = arith.constant 0 : i32
    %dma_wait3A_302 = arith.constant 0 : i32
    %dma_wait3A_303 = tpu.memref_slice %arg6[%dma_wait3A_300, %dma_wait3A_301, %dma_wait3A_302] : memref<4x128x128xf32, #tpu.memory_space<vmem>> -> memref<1x128x128xf32, #tpu.memory_space<vmem>>
    %dma_wait3A_304 = tpu.memref_squeeze %dma_wait3A_303 : memref<1x128x128xf32, #tpu.memory_space<vmem>> -> memref<128x128xf32, #tpu.memory_space<vmem>>
    %dma_wait3A_305 = arith.constant 0 : i32
    %dma_wait3A_306 = tpu.memref_slice %arg5[%dma_wait3A_299, %dma_wait3A_305] : memref<8x128xi32, #tpu.memory_space<vmem>> -> memref<1x128xi32, #tpu.memory_space<vmem>>
    %dma_wait3A_307 = tpu.memref_squeeze %dma_wait3A_306 : memref<1x128xi32, #tpu.memory_space<vmem>> -> memref<128xi32, #tpu.memory_space<vmem>>
    %dma_wait3A_308 = arith.constant 0 : i32
    %dma_wait3A_309 = arith.constant 0 : i32
    %dma_wait3A_310 = tpu.memref_slice %arg2[%dma_wait3A_308, %dma_wait3A_309] : memref<100001x128xf32, #tpu.memory_space<hbm>> -> memref<100001x128xf32, #tpu.memory_space<hbm>>
    tpu.wait_indirect_dma semaphore(%arg8 : memref<!tpu.dma_semaphore, #tpu.memory_space<semaphore_mem>>) src(%dma_wait3A_310 : memref<100001x128xf32, #tpu.memory_space<hbm>>) dst(%dma_wait3A_304 : memref<128x128xf32, #tpu.memory_space<vmem>>)
    %add3A_311 = arith.constant 640 : i32
    %add3A_312 = arith.addi %mul3A_0, %add3A_311 : i32
    %dma_start3A_313 = arith.constant 1 : i32
    %dma_start3A_314 = arith.constant 0 : i32
    %dma_start3A_315 = arith.constant 0 : i32
    %dma_start3A_316 = tpu.memref_slice %arg6[%dma_start3A_313, %dma_start3A_314, %dma_start3A_315] : memref<4x128x128xf32, #tpu.memory_space<vmem>> -> memref<1x128x128xf32, #tpu.memory_space<vmem>>
    %dma_start3A_317 = tpu.memref_squeeze %dma_start3A_316 : memref<1x128x128xf32, #tpu.memory_space<vmem>> -> memref<128x128xf32, #tpu.memory_space<vmem>>
    %dma_start3A_318 = arith.constant 0 : i32
    %dma_start3A_319 = tpu.memref_slice %arg4[%arg0, %add3A_312, %dma_start3A_318] : memref<2x16384x128xf32, #tpu.memory_space<hbm>> -> memref<1x128x128xf32, #tpu.memory_space<hbm>>
    %dma_start3A_320 = tpu.memref_squeeze %dma_start3A_319 : memref<1x128x128xf32, #tpu.memory_space<hbm>> -> memref<128x128xf32, #tpu.memory_space<hbm>>
    %dma_start3A_321 = arith.constant 0 : i32
    %dma_start3A_322 = tpu.memref_slice %arg4[%arg0, %add3A_312, %dma_start3A_321] : memref<2x16384x128xf32, #tpu.memory_space<hbm>> -> memref<1x128x128xf32, #tpu.memory_space<hbm>>
    %dma_start3A_323 = tpu.memref_squeeze %dma_start3A_322 : memref<1x128x128xf32, #tpu.memory_space<hbm>> -> memref<128x128xf32, #tpu.memory_space<hbm>>
    %dma_start3A_324 = arith.constant 0 : i32
    %dma_start3A_325 = arith.constant 0 : i32
    %dma_start3A_326 = tpu.memref_slice %arg6[%dma_start3A_313, %dma_start3A_324, %dma_start3A_325] : memref<4x128x128xf32, #tpu.memory_space<vmem>> -> memref<1x128x128xf32, #tpu.memory_space<vmem>>
    %dma_start3A_327 = tpu.memref_squeeze %dma_start3A_326 : memref<1x128x128xf32, #tpu.memory_space<vmem>> -> memref<128x128xf32, #tpu.memory_space<vmem>>
    tpu.enqueue_dma source(%dma_start3A_327 : memref<128x128xf32, #tpu.memory_space<vmem>>) target(%dma_start3A_323 : memref<128x128xf32, #tpu.memory_space<hbm>>) target_semaphore(%arg12 : memref<!tpu.dma_semaphore, #tpu.memory_space<semaphore_mem>>)
    %dma_wait3A_328 = arith.constant 6 : i32
    %dma_wait3A_329 = arith.constant 2 : i32
    %dma_wait3A_330 = arith.constant 0 : i32
    %dma_wait3A_331 = arith.constant 0 : i32
    %dma_wait3A_332 = tpu.memref_slice %arg6[%dma_wait3A_329, %dma_wait3A_330, %dma_wait3A_331] : memref<4x128x128xf32, #tpu.memory_space<vmem>> -> memref<1x128x128xf32, #tpu.memory_space<vmem>>
    %dma_wait3A_333 = tpu.memref_squeeze %dma_wait3A_332 : memref<1x128x128xf32, #tpu.memory_space<vmem>> -> memref<128x128xf32, #tpu.memory_space<vmem>>
    %dma_wait3A_334 = arith.constant 0 : i32
    %dma_wait3A_335 = tpu.memref_slice %arg5[%dma_wait3A_328, %dma_wait3A_334] : memref<8x128xi32, #tpu.memory_space<vmem>> -> memref<1x128xi32, #tpu.memory_space<vmem>>
    %dma_wait3A_336 = tpu.memref_squeeze %dma_wait3A_335 : memref<1x128xi32, #tpu.memory_space<vmem>> -> memref<128xi32, #tpu.memory_space<vmem>>
    %dma_wait3A_337 = arith.constant 0 : i32
    %dma_wait3A_338 = arith.constant 0 : i32
    %dma_wait3A_339 = tpu.memref_slice %arg2[%dma_wait3A_337, %dma_wait3A_338] : memref<100001x128xf32, #tpu.memory_space<hbm>> -> memref<100001x128xf32, #tpu.memory_space<hbm>>
    tpu.wait_indirect_dma semaphore(%arg9 : memref<!tpu.dma_semaphore, #tpu.memory_space<semaphore_mem>>) src(%dma_wait3A_339 : memref<100001x128xf32, #tpu.memory_space<hbm>>) dst(%dma_wait3A_333 : memref<128x128xf32, #tpu.memory_space<vmem>>)
    %add3A_340 = arith.constant 768 : i32
    %add3A_341 = arith.addi %mul3A_0, %add3A_340 : i32
    %dma_start3A_342 = arith.constant 2 : i32
    %dma_start3A_343 = arith.constant 0 : i32
    %dma_start3A_344 = arith.constant 0 : i32
    %dma_start3A_345 = tpu.memref_slice %arg6[%dma_start3A_342, %dma_start3A_343, %dma_start3A_344] : memref<4x128x128xf32, #tpu.memory_space<vmem>> -> memref<1x128x128xf32, #tpu.memory_space<vmem>>
    %dma_start3A_346 = tpu.memref_squeeze %dma_start3A_345 : memref<1x128x128xf32, #tpu.memory_space<vmem>> -> memref<128x128xf32, #tpu.memory_space<vmem>>
    %dma_start3A_347 = arith.constant 0 : i32
    %dma_start3A_348 = tpu.memref_slice %arg4[%arg0, %add3A_341, %dma_start3A_347] : memref<2x16384x128xf32, #tpu.memory_space<hbm>> -> memref<1x128x128xf32, #tpu.memory_space<hbm>>
    %dma_start3A_349 = tpu.memref_squeeze %dma_start3A_348 : memref<1x128x128xf32, #tpu.memory_space<hbm>> -> memref<128x128xf32, #tpu.memory_space<hbm>>
    %dma_start3A_350 = arith.constant 0 : i32
    %dma_start3A_351 = tpu.memref_slice %arg4[%arg0, %add3A_341, %dma_start3A_350] : memref<2x16384x128xf32, #tpu.memory_space<hbm>> -> memref<1x128x128xf32, #tpu.memory_space<hbm>>
    %dma_start3A_352 = tpu.memref_squeeze %dma_start3A_351 : memref<1x128x128xf32, #tpu.memory_space<hbm>> -> memref<128x128xf32, #tpu.memory_space<hbm>>
    %dma_start3A_353 = arith.constant 0 : i32
    %dma_start3A_354 = arith.constant 0 : i32
    %dma_start3A_355 = tpu.memref_slice %arg6[%dma_start3A_342, %dma_start3A_353, %dma_start3A_354] : memref<4x128x128xf32, #tpu.memory_space<vmem>> -> memref<1x128x128xf32, #tpu.memory_space<vmem>>
    %dma_start3A_356 = tpu.memref_squeeze %dma_start3A_355 : memref<1x128x128xf32, #tpu.memory_space<vmem>> -> memref<128x128xf32, #tpu.memory_space<vmem>>
    tpu.enqueue_dma source(%dma_start3A_356 : memref<128x128xf32, #tpu.memory_space<vmem>>) target(%dma_start3A_352 : memref<128x128xf32, #tpu.memory_space<hbm>>) target_semaphore(%arg13 : memref<!tpu.dma_semaphore, #tpu.memory_space<semaphore_mem>>)
    %dma_wait3A_357 = arith.constant 7 : i32
    %dma_wait3A_358 = arith.constant 3 : i32
    %dma_wait3A_359 = arith.constant 0 : i32
    %dma_wait3A_360 = arith.constant 0 : i32
    %dma_wait3A_361 = tpu.memref_slice %arg6[%dma_wait3A_358, %dma_wait3A_359, %dma_wait3A_360] : memref<4x128x128xf32, #tpu.memory_space<vmem>> -> memref<1x128x128xf32, #tpu.memory_space<vmem>>
    %dma_wait3A_362 = tpu.memref_squeeze %dma_wait3A_361 : memref<1x128x128xf32, #tpu.memory_space<vmem>> -> memref<128x128xf32, #tpu.memory_space<vmem>>
    %dma_wait3A_363 = arith.constant 0 : i32
    %dma_wait3A_364 = tpu.memref_slice %arg5[%dma_wait3A_357, %dma_wait3A_363] : memref<8x128xi32, #tpu.memory_space<vmem>> -> memref<1x128xi32, #tpu.memory_space<vmem>>
    %dma_wait3A_365 = tpu.memref_squeeze %dma_wait3A_364 : memref<1x128xi32, #tpu.memory_space<vmem>> -> memref<128xi32, #tpu.memory_space<vmem>>
    %dma_wait3A_366 = arith.constant 0 : i32
    %dma_wait3A_367 = arith.constant 0 : i32
    %dma_wait3A_368 = tpu.memref_slice %arg2[%dma_wait3A_366, %dma_wait3A_367] : memref<100001x128xf32, #tpu.memory_space<hbm>> -> memref<100001x128xf32, #tpu.memory_space<hbm>>
    tpu.wait_indirect_dma semaphore(%arg10 : memref<!tpu.dma_semaphore, #tpu.memory_space<semaphore_mem>>) src(%dma_wait3A_368 : memref<100001x128xf32, #tpu.memory_space<hbm>>) dst(%dma_wait3A_362 : memref<128x128xf32, #tpu.memory_space<vmem>>)
    %add3A_369 = arith.constant 896 : i32
    %add3A_370 = arith.addi %mul3A_0, %add3A_369 : i32
    %dma_start3A_371 = arith.constant 3 : i32
    %dma_start3A_372 = arith.constant 0 : i32
    %dma_start3A_373 = arith.constant 0 : i32
    %dma_start3A_374 = tpu.memref_slice %arg6[%dma_start3A_371, %dma_start3A_372, %dma_start3A_373] : memref<4x128x128xf32, #tpu.memory_space<vmem>> -> memref<1x128x128xf32, #tpu.memory_space<vmem>>
    %dma_start3A_375 = tpu.memref_squeeze %dma_start3A_374 : memref<1x128x128xf32, #tpu.memory_space<vmem>> -> memref<128x128xf32, #tpu.memory_space<vmem>>
    %dma_start3A_376 = arith.constant 0 : i32
    %dma_start3A_377 = tpu.memref_slice %arg4[%arg0, %add3A_370, %dma_start3A_376] : memref<2x16384x128xf32, #tpu.memory_space<hbm>> -> memref<1x128x128xf32, #tpu.memory_space<hbm>>
    %dma_start3A_378 = tpu.memref_squeeze %dma_start3A_377 : memref<1x128x128xf32, #tpu.memory_space<hbm>> -> memref<128x128xf32, #tpu.memory_space<hbm>>
    %dma_start3A_379 = arith.constant 0 : i32
    %dma_start3A_380 = tpu.memref_slice %arg4[%arg0, %add3A_370, %dma_start3A_379] : memref<2x16384x128xf32, #tpu.memory_space<hbm>> -> memref<1x128x128xf32, #tpu.memory_space<hbm>>
    %dma_start3A_381 = tpu.memref_squeeze %dma_start3A_380 : memref<1x128x128xf32, #tpu.memory_space<hbm>> -> memref<128x128xf32, #tpu.memory_space<hbm>>
    %dma_start3A_382 = arith.constant 0 : i32
    %dma_start3A_383 = arith.constant 0 : i32
    %dma_start3A_384 = tpu.memref_slice %arg6[%dma_start3A_371, %dma_start3A_382, %dma_start3A_383] : memref<4x128x128xf32, #tpu.memory_space<vmem>> -> memref<1x128x128xf32, #tpu.memory_space<vmem>>
    %dma_start3A_385 = tpu.memref_squeeze %dma_start3A_384 : memref<1x128x128xf32, #tpu.memory_space<vmem>> -> memref<128x128xf32, #tpu.memory_space<vmem>>
    tpu.enqueue_dma source(%dma_start3A_385 : memref<128x128xf32, #tpu.memory_space<vmem>>) target(%dma_start3A_381 : memref<128x128xf32, #tpu.memory_space<hbm>>) target_semaphore(%arg14 : memref<!tpu.dma_semaphore, #tpu.memory_space<semaphore_mem>>)
    %dma_wait3A_386 = arith.constant 0 : i32
    %dma_wait3A_387 = arith.constant 0 : i32
    %dma_wait3A_388 = arith.constant 0 : i32
    %dma_wait3A_389 = tpu.memref_slice %arg6[%dma_wait3A_386, %dma_wait3A_387, %dma_wait3A_388] : memref<4x128x128xf32, #tpu.memory_space<vmem>> -> memref<1x128x128xf32, #tpu.memory_space<vmem>>
    %dma_wait3A_390 = tpu.memref_squeeze %dma_wait3A_389 : memref<1x128x128xf32, #tpu.memory_space<vmem>> -> memref<128x128xf32, #tpu.memory_space<vmem>>
    %dma_wait3A_391 = arith.constant 0 : i32
    %dma_wait3A_392 = tpu.memref_slice %arg4[%arg0, %add3A_256, %dma_wait3A_391] : memref<2x16384x128xf32, #tpu.memory_space<hbm>> -> memref<1x128x128xf32, #tpu.memory_space<hbm>>
    %dma_wait3A_393 = tpu.memref_squeeze %dma_wait3A_392 : memref<1x128x128xf32, #tpu.memory_space<hbm>> -> memref<128x128xf32, #tpu.memory_space<hbm>>
    %dma_wait3A_394 = arith.constant 0 : i32
    %dma_wait3A_395 = tpu.memref_slice %arg4[%arg0, %add3A_256, %dma_wait3A_394] : memref<2x16384x128xf32, #tpu.memory_space<hbm>> -> memref<1x128x128xf32, #tpu.memory_space<hbm>>
    %dma_wait3A_396 = tpu.memref_squeeze %dma_wait3A_395 : memref<1x128x128xf32, #tpu.memory_space<hbm>> -> memref<128x128xf32, #tpu.memory_space<hbm>>
    %dma_wait3A_397 = arith.constant 0 : i32
    %dma_wait3A_398 = arith.constant 0 : i32
    %dma_wait3A_399 = tpu.memref_slice %arg6[%dma_wait3A_386, %dma_wait3A_397, %dma_wait3A_398] : memref<4x128x128xf32, #tpu.memory_space<vmem>> -> memref<1x128x128xf32, #tpu.memory_space<vmem>>
    %dma_wait3A_400 = tpu.memref_squeeze %dma_wait3A_399 : memref<1x128x128xf32, #tpu.memory_space<vmem>> -> memref<128x128xf32, #tpu.memory_space<vmem>>
    tpu.wait_dma2 semaphore(%arg11 : memref<!tpu.dma_semaphore, #tpu.memory_space<semaphore_mem>>) src(%dma_wait3A_400 : memref<128x128xf32, #tpu.memory_space<vmem>>) dst(%dma_wait3A_396 : memref<128x128xf32, #tpu.memory_space<hbm>>)
    %dma_wait3A_401 = arith.constant 1 : i32
    %dma_wait3A_402 = arith.constant 0 : i32
    %dma_wait3A_403 = arith.constant 0 : i32
    %dma_wait3A_404 = tpu.memref_slice %arg6[%dma_wait3A_401, %dma_wait3A_402, %dma_wait3A_403] : memref<4x128x128xf32, #tpu.memory_space<vmem>> -> memref<1x128x128xf32, #tpu.memory_space<vmem>>
    %dma_wait3A_405 = tpu.memref_squeeze %dma_wait3A_404 : memref<1x128x128xf32, #tpu.memory_space<vmem>> -> memref<128x128xf32, #tpu.memory_space<vmem>>
    %dma_wait3A_406 = arith.constant 0 : i32
    %dma_wait3A_407 = tpu.memref_slice %arg4[%arg0, %add3A_312, %dma_wait3A_406] : memref<2x16384x128xf32, #tpu.memory_space<hbm>> -> memref<1x128x128xf32, #tpu.memory_space<hbm>>
    %dma_wait3A_408 = tpu.memref_squeeze %dma_wait3A_407 : memref<1x128x128xf32, #tpu.memory_space<hbm>> -> memref<128x128xf32, #tpu.memory_space<hbm>>
    %dma_wait3A_409 = arith.constant 0 : i32
    %dma_wait3A_410 = tpu.memref_slice %arg4[%arg0, %add3A_312, %dma_wait3A_409] : memref<2x16384x128xf32, #tpu.memory_space<hbm>> -> memref<1x128x128xf32, #tpu.memory_space<hbm>>
    %dma_wait3A_411 = tpu.memref_squeeze %dma_wait3A_410 : memref<1x128x128xf32, #tpu.memory_space<hbm>> -> memref<128x128xf32, #tpu.memory_space<hbm>>
    %dma_wait3A_412 = arith.constant 0 : i32
    %dma_wait3A_413 = arith.constant 0 : i32
    %dma_wait3A_414 = tpu.memref_slice %arg6[%dma_wait3A_401, %dma_wait3A_412, %dma_wait3A_413] : memref<4x128x128xf32, #tpu.memory_space<vmem>> -> memref<1x128x128xf32, #tpu.memory_space<vmem>>
    %dma_wait3A_415 = tpu.memref_squeeze %dma_wait3A_414 : memref<1x128x128xf32, #tpu.memory_space<vmem>> -> memref<128x128xf32, #tpu.memory_space<vmem>>
    tpu.wait_dma2 semaphore(%arg12 : memref<!tpu.dma_semaphore, #tpu.memory_space<semaphore_mem>>) src(%dma_wait3A_415 : memref<128x128xf32, #tpu.memory_space<vmem>>) dst(%dma_wait3A_411 : memref<128x128xf32, #tpu.memory_space<hbm>>)
    %dma_wait3A_416 = arith.constant 2 : i32
    %dma_wait3A_417 = arith.constant 0 : i32
    %dma_wait3A_418 = arith.constant 0 : i32
    %dma_wait3A_419 = tpu.memref_slice %arg6[%dma_wait3A_416, %dma_wait3A_417, %dma_wait3A_418] : memref<4x128x128xf32, #tpu.memory_space<vmem>> -> memref<1x128x128xf32, #tpu.memory_space<vmem>>
    %dma_wait3A_420 = tpu.memref_squeeze %dma_wait3A_419 : memref<1x128x128xf32, #tpu.memory_space<vmem>> -> memref<128x128xf32, #tpu.memory_space<vmem>>
    %dma_wait3A_421 = arith.constant 0 : i32
    %dma_wait3A_422 = tpu.memref_slice %arg4[%arg0, %add3A_341, %dma_wait3A_421] : memref<2x16384x128xf32, #tpu.memory_space<hbm>> -> memref<1x128x128xf32, #tpu.memory_space<hbm>>
    %dma_wait3A_423 = tpu.memref_squeeze %dma_wait3A_422 : memref<1x128x128xf32, #tpu.memory_space<hbm>> -> memref<128x128xf32, #tpu.memory_space<hbm>>
    %dma_wait3A_424 = arith.constant 0 : i32
    %dma_wait3A_425 = tpu.memref_slice %arg4[%arg0, %add3A_341, %dma_wait3A_424] : memref<2x16384x128xf32, #tpu.memory_space<hbm>> -> memref<1x128x128xf32, #tpu.memory_space<hbm>>
    %dma_wait3A_426 = tpu.memref_squeeze %dma_wait3A_425 : memref<1x128x128xf32, #tpu.memory_space<hbm>> -> memref<128x128xf32, #tpu.memory_space<hbm>>
    %dma_wait3A_427 = arith.constant 0 : i32
    %dma_wait3A_428 = arith.constant 0 : i32
    %dma_wait3A_429 = tpu.memref_slice %arg6[%dma_wait3A_416, %dma_wait3A_427, %dma_wait3A_428] : memref<4x128x128xf32, #tpu.memory_space<vmem>> -> memref<1x128x128xf32, #tpu.memory_space<vmem>>
    %dma_wait3A_430 = tpu.memref_squeeze %dma_wait3A_429 : memref<1x128x128xf32, #tpu.memory_space<vmem>> -> memref<128x128xf32, #tpu.memory_space<vmem>>
    tpu.wait_dma2 semaphore(%arg13 : memref<!tpu.dma_semaphore, #tpu.memory_space<semaphore_mem>>) src(%dma_wait3A_430 : memref<128x128xf32, #tpu.memory_space<vmem>>) dst(%dma_wait3A_426 : memref<128x128xf32, #tpu.memory_space<hbm>>)
    %dma_wait3A_431 = arith.constant 3 : i32
    %dma_wait3A_432 = arith.constant 0 : i32
    %dma_wait3A_433 = arith.constant 0 : i32
    %dma_wait3A_434 = tpu.memref_slice %arg6[%dma_wait3A_431, %dma_wait3A_432, %dma_wait3A_433] : memref<4x128x128xf32, #tpu.memory_space<vmem>> -> memref<1x128x128xf32, #tpu.memory_space<vmem>>
    %dma_wait3A_435 = tpu.memref_squeeze %dma_wait3A_434 : memref<1x128x128xf32, #tpu.memory_space<vmem>> -> memref<128x128xf32, #tpu.memory_space<vmem>>
    %dma_wait3A_436 = arith.constant 0 : i32
    %dma_wait3A_437 = tpu.memref_slice %arg4[%arg0, %add3A_370, %dma_wait3A_436] : memref<2x16384x128xf32, #tpu.memory_space<hbm>> -> memref<1x128x128xf32, #tpu.memory_space<hbm>>
    %dma_wait3A_438 = tpu.memref_squeeze %dma_wait3A_437 : memref<1x128x128xf32, #tpu.memory_space<hbm>> -> memref<128x128xf32, #tpu.memory_space<hbm>>
    %dma_wait3A_439 = arith.constant 0 : i32
    %dma_wait3A_440 = tpu.memref_slice %arg4[%arg0, %add3A_370, %dma_wait3A_439] : memref<2x16384x128xf32, #tpu.memory_space<hbm>> -> memref<1x128x128xf32, #tpu.memory_space<hbm>>
    %dma_wait3A_441 = tpu.memref_squeeze %dma_wait3A_440 : memref<1x128x128xf32, #tpu.memory_space<hbm>> -> memref<128x128xf32, #tpu.memory_space<hbm>>
    %dma_wait3A_442 = arith.constant 0 : i32
    %dma_wait3A_443 = arith.constant 0 : i32
    %dma_wait3A_444 = tpu.memref_slice %arg6[%dma_wait3A_431, %dma_wait3A_442, %dma_wait3A_443] : memref<4x128x128xf32, #tpu.memory_space<vmem>> -> memref<1x128x128xf32, #tpu.memory_space<vmem>>
    %dma_wait3A_445 = tpu.memref_squeeze %dma_wait3A_444 : memref<1x128x128xf32, #tpu.memory_space<vmem>> -> memref<128x128xf32, #tpu.memory_space<vmem>>
    tpu.wait_dma2 semaphore(%arg14 : memref<!tpu.dma_semaphore, #tpu.memory_space<semaphore_mem>>) src(%dma_wait3A_445 : memref<128x128xf32, #tpu.memory_space<vmem>>) dst(%dma_wait3A_441 : memref<128x128xf32, #tpu.memory_space<hbm>>)
    return
  }
}

module attributes {stable_mosaic.version = 14 : i64} {
  func.func @_mlp_body(%arg0: i32, %arg1: memref<2x4096x128xf32, #tpu.memory_space<vmem>>, %arg2: memref<128x128xf32, #tpu.memory_space<vmem>>, %arg3: memref<128x128xf32, #tpu.memory_space<vmem>>, %arg4: memref<1x128xf32, #tpu.memory_space<vmem>>, %arg5: memref<128x1xf32, #tpu.memory_space<vmem>>, %arg6: memref<1x1xf32, #tpu.memory_space<vmem>>, %arg7: memref<32x128xf32, #tpu.memory_space<vmem>>) attributes {dimension_semantics = [#tpu.dimension_semantics<arbitrary>], iteration_bounds = array<i64: 4>, scalar_prefetch = 0 : i64, scratch_operands = 0 : i64, tpu.core_type = #tpu.core_type<tc>, window_params = [{transform_indices = @transform_0, window_bounds = array<i64: 2, 4096, 128>}, {pipeline_mode = #tpu.pipeline_mode<synchronous>, transform_indices = @transform_1, window_bounds = array<i64: 128, 128>}, {pipeline_mode = #tpu.pipeline_mode<synchronous>, transform_indices = @transform_2, window_bounds = array<i64: 128, 128>}, {pipeline_mode = #tpu.pipeline_mode<synchronous>, transform_indices = @transform_3, window_bounds = array<i64: 1, 128>}, {pipeline_mode = #tpu.pipeline_mode<synchronous>, transform_indices = @transform_4, window_bounds = array<i64: 128, 1>}, {pipeline_mode = #tpu.pipeline_mode<synchronous>, transform_indices = @transform_5, window_bounds = array<i64: 1, 1>}, {transform_indices = @transform_6, window_bounds = array<i64: 32, 128>}]} {
    %get3A = arith.constant 0 : index
    %get3A_0 = arith.constant 0 : index
    %get3A_1 = arith.constant 0 : index
    %get3A_2 = vector.load %arg1[%get3A, %get3A_0, %get3A_1] : memref<2x4096x128xf32, #tpu.memory_space<vmem>>, vector<1x4096x128xf32>
    %get3A_3 = vector.shape_cast %get3A_2 : vector<1x4096x128xf32> to vector<4096x128xf32>
    %get3A_4 = arith.constant 0 : index
    %get3A_5 = arith.constant 0 : index
    %get3A_6 = vector.load %arg2[%get3A_4, %get3A_5] : memref<128x128xf32, #tpu.memory_space<vmem>>, vector<128x128xf32>
    %dot_general3A = arith.constant dense<0.000000e+00> : vector<4096x128xf32>
    %dot_general3A_7 = tpu.matmul %get3A_3, %get3A_6, %dot_general3A {dimension_numbers = #tpu.dot_dimension_numbers<[1], [0], [0], [1], [0, 0, 1, 1], [], []>, transpose_lhs_hint = false} : vector<4096x128xf32>, vector<128x128xf32>, vector<4096x128xf32> -> vector<4096x128xf32>
    %get3A_8 = arith.constant 1 : index
    %get3A_9 = arith.constant 0 : index
    %get3A_10 = arith.constant 0 : index
    %get3A_11 = vector.load %arg1[%get3A_8, %get3A_9, %get3A_10] : memref<2x4096x128xf32, #tpu.memory_space<vmem>>, vector<1x4096x128xf32>
    %get3A_12 = vector.shape_cast %get3A_11 : vector<1x4096x128xf32> to vector<4096x128xf32>
    %get3A_13 = arith.constant 0 : index
    %get3A_14 = arith.constant 0 : index
    %get3A_15 = vector.load %arg3[%get3A_13, %get3A_14] : memref<128x128xf32, #tpu.memory_space<vmem>>, vector<128x128xf32>
    %dot_general3A_16 = arith.constant dense<0.000000e+00> : vector<4096x128xf32>
    %dot_general3A_17 = tpu.matmul %get3A_12, %get3A_15, %dot_general3A_16 {dimension_numbers = #tpu.dot_dimension_numbers<[1], [0], [0], [1], [0, 0, 1, 1], [], []>, transpose_lhs_hint = false} : vector<4096x128xf32>, vector<128x128xf32>, vector<4096x128xf32> -> vector<4096x128xf32>
    %add3A = arith.addf %dot_general3A_7, %dot_general3A_17 : vector<4096x128xf32>
    %get3A_18 = arith.constant 0 : index
    %get3A_19 = arith.constant 0 : index
    %get3A_20 = vector.load %arg4[%get3A_18, %get3A_19] : memref<1x128xf32, #tpu.memory_space<vmem>>, vector<1x128xf32>
    %add3A_21 = vector.broadcast %get3A_20 : vector<1x128xf32> to vector<4096x128xf32>
    %add3A_22 = arith.addf %add3A, %add3A_21 : vector<4096x128xf32>
    %gt3A = arith.constant 0.000000e+00 : f32
    %gt3A_23 = vector.broadcast %gt3A : f32 to vector<4096x128xf32>
    %gt3A_24 = arith.cmpf ogt, %add3A_22, %gt3A_23 : vector<4096x128xf32>
    %min3A = arith.constant 0.000000e+00 : f32
    %min3A_25 = vector.broadcast %min3A : f32 to vector<4096x128xf32>
    %min3A_26 = arith.minimumf %add3A_22, %min3A_25 : vector<4096x128xf32>
    %exp3A = math.exp %min3A_26 : vector<4096x128xf32>
    %sub3A = arith.constant 1.000000e+00 : f32
    %sub3A_27 = vector.broadcast %sub3A : f32 to vector<4096x128xf32>
    %sub3A_28 = arith.subf %exp3A, %sub3A_27 : vector<4096x128xf32>
    %select_n3A = arith.select %gt3A_24, %add3A_22, %sub3A_28 : vector<4096x128xi1>, vector<4096x128xf32>
    %get3A_29 = arith.constant 0 : index
    %get3A_30 = arith.constant 0 : index
    %get3A_31 = vector.load %arg5[%get3A_29, %get3A_30] : memref<128x1xf32, #tpu.memory_space<vmem>>, vector<128x1xf32>
    %slice3A = vector.extract_strided_slice %select_n3A {offsets = [0, 0], sizes = [128, 128], strides = [1, 1]} : vector<4096x128xf32> to vector<128x128xf32>
    %dot_general3A_32 = arith.constant dense<0.000000e+00> : vector<1x128xf32>
    %dot_general3A_33 = tpu.matmul %get3A_31, %slice3A, %dot_general3A_32 {dimension_numbers = #tpu.dot_dimension_numbers<[0], [1], [1], [0], [0, 1, 1, 0], [], []>, transpose_lhs_hint = false} : vector<128x1xf32>, vector<128x128xf32>, vector<1x128xf32> -> vector<1x128xf32>
    %slice3A_34 = vector.extract_strided_slice %select_n3A {offsets = [128, 0], sizes = [128, 128], strides = [1, 1]} : vector<4096x128xf32> to vector<128x128xf32>
    %dot_general3A_35 = arith.constant dense<0.000000e+00> : vector<1x128xf32>
    %dot_general3A_36 = tpu.matmul %get3A_31, %slice3A_34, %dot_general3A_35 {dimension_numbers = #tpu.dot_dimension_numbers<[0], [1], [1], [0], [0, 1, 1, 0], [], []>, transpose_lhs_hint = false} : vector<128x1xf32>, vector<128x128xf32>, vector<1x128xf32> -> vector<1x128xf32>
    %slice3A_37 = vector.extract_strided_slice %select_n3A {offsets = [256, 0], sizes = [128, 128], strides = [1, 1]} : vector<4096x128xf32> to vector<128x128xf32>
    %dot_general3A_38 = arith.constant dense<0.000000e+00> : vector<1x128xf32>
    %dot_general3A_39 = tpu.matmul %get3A_31, %slice3A_37, %dot_general3A_38 {dimension_numbers = #tpu.dot_dimension_numbers<[0], [1], [1], [0], [0, 1, 1, 0], [], []>, transpose_lhs_hint = false} : vector<128x1xf32>, vector<128x128xf32>, vector<1x128xf32> -> vector<1x128xf32>
    %slice3A_40 = vector.extract_strided_slice %select_n3A {offsets = [384, 0], sizes = [128, 128], strides = [1, 1]} : vector<4096x128xf32> to vector<128x128xf32>
    %dot_general3A_41 = arith.constant dense<0.000000e+00> : vector<1x128xf32>
    %dot_general3A_42 = tpu.matmul %get3A_31, %slice3A_40, %dot_general3A_41 {dimension_numbers = #tpu.dot_dimension_numbers<[0], [1], [1], [0], [0, 1, 1, 0], [], []>, transpose_lhs_hint = false} : vector<128x1xf32>, vector<128x128xf32>, vector<1x128xf32> -> vector<1x128xf32>
    %slice3A_43 = vector.extract_strided_slice %select_n3A {offsets = [512, 0], sizes = [128, 128], strides = [1, 1]} : vector<4096x128xf32> to vector<128x128xf32>
    %dot_general3A_44 = arith.constant dense<0.000000e+00> : vector<1x128xf32>
    %dot_general3A_45 = tpu.matmul %get3A_31, %slice3A_43, %dot_general3A_44 {dimension_numbers = #tpu.dot_dimension_numbers<[0], [1], [1], [0], [0, 1, 1, 0], [], []>, transpose_lhs_hint = false} : vector<128x1xf32>, vector<128x128xf32>, vector<1x128xf32> -> vector<1x128xf32>
    %slice3A_46 = vector.extract_strided_slice %select_n3A {offsets = [640, 0], sizes = [128, 128], strides = [1, 1]} : vector<4096x128xf32> to vector<128x128xf32>
    %dot_general3A_47 = arith.constant dense<0.000000e+00> : vector<1x128xf32>
    %dot_general3A_48 = tpu.matmul %get3A_31, %slice3A_46, %dot_general3A_47 {dimension_numbers = #tpu.dot_dimension_numbers<[0], [1], [1], [0], [0, 1, 1, 0], [], []>, transpose_lhs_hint = false} : vector<128x1xf32>, vector<128x128xf32>, vector<1x128xf32> -> vector<1x128xf32>
    %slice3A_49 = vector.extract_strided_slice %select_n3A {offsets = [768, 0], sizes = [128, 128], strides = [1, 1]} : vector<4096x128xf32> to vector<128x128xf32>
    %dot_general3A_50 = arith.constant dense<0.000000e+00> : vector<1x128xf32>
    %dot_general3A_51 = tpu.matmul %get3A_31, %slice3A_49, %dot_general3A_50 {dimension_numbers = #tpu.dot_dimension_numbers<[0], [1], [1], [0], [0, 1, 1, 0], [], []>, transpose_lhs_hint = false} : vector<128x1xf32>, vector<128x128xf32>, vector<1x128xf32> -> vector<1x128xf32>
    %slice3A_52 = vector.extract_strided_slice %select_n3A {offsets = [896, 0], sizes = [128, 128], strides = [1, 1]} : vector<4096x128xf32> to vector<128x128xf32>
    %dot_general3A_53 = arith.constant dense<0.000000e+00> : vector<1x128xf32>
    %dot_general3A_54 = tpu.matmul %get3A_31, %slice3A_52, %dot_general3A_53 {dimension_numbers = #tpu.dot_dimension_numbers<[0], [1], [1], [0], [0, 1, 1, 0], [], []>, transpose_lhs_hint = false} : vector<128x1xf32>, vector<128x128xf32>, vector<1x128xf32> -> vector<1x128xf32>
    %slice3A_55 = vector.extract_strided_slice %select_n3A {offsets = [1024, 0], sizes = [128, 128], strides = [1, 1]} : vector<4096x128xf32> to vector<128x128xf32>
    %dot_general3A_56 = arith.constant dense<0.000000e+00> : vector<1x128xf32>
    %dot_general3A_57 = tpu.matmul %get3A_31, %slice3A_55, %dot_general3A_56 {dimension_numbers = #tpu.dot_dimension_numbers<[0], [1], [1], [0], [0, 1, 1, 0], [], []>, transpose_lhs_hint = false} : vector<128x1xf32>, vector<128x128xf32>, vector<1x128xf32> -> vector<1x128xf32>
    %slice3A_58 = vector.extract_strided_slice %select_n3A {offsets = [1152, 0], sizes = [128, 128], strides = [1, 1]} : vector<4096x128xf32> to vector<128x128xf32>
    %dot_general3A_59 = arith.constant dense<0.000000e+00> : vector<1x128xf32>
    %dot_general3A_60 = tpu.matmul %get3A_31, %slice3A_58, %dot_general3A_59 {dimension_numbers = #tpu.dot_dimension_numbers<[0], [1], [1], [0], [0, 1, 1, 0], [], []>, transpose_lhs_hint = false} : vector<128x1xf32>, vector<128x128xf32>, vector<1x128xf32> -> vector<1x128xf32>
    %slice3A_61 = vector.extract_strided_slice %select_n3A {offsets = [1280, 0], sizes = [128, 128], strides = [1, 1]} : vector<4096x128xf32> to vector<128x128xf32>
    %dot_general3A_62 = arith.constant dense<0.000000e+00> : vector<1x128xf32>
    %dot_general3A_63 = tpu.matmul %get3A_31, %slice3A_61, %dot_general3A_62 {dimension_numbers = #tpu.dot_dimension_numbers<[0], [1], [1], [0], [0, 1, 1, 0], [], []>, transpose_lhs_hint = false} : vector<128x1xf32>, vector<128x128xf32>, vector<1x128xf32> -> vector<1x128xf32>
    %slice3A_64 = vector.extract_strided_slice %select_n3A {offsets = [1408, 0], sizes = [128, 128], strides = [1, 1]} : vector<4096x128xf32> to vector<128x128xf32>
    %dot_general3A_65 = arith.constant dense<0.000000e+00> : vector<1x128xf32>
    %dot_general3A_66 = tpu.matmul %get3A_31, %slice3A_64, %dot_general3A_65 {dimension_numbers = #tpu.dot_dimension_numbers<[0], [1], [1], [0], [0, 1, 1, 0], [], []>, transpose_lhs_hint = false} : vector<128x1xf32>, vector<128x128xf32>, vector<1x128xf32> -> vector<1x128xf32>
    %slice3A_67 = vector.extract_strided_slice %select_n3A {offsets = [1536, 0], sizes = [128, 128], strides = [1, 1]} : vector<4096x128xf32> to vector<128x128xf32>
    %dot_general3A_68 = arith.constant dense<0.000000e+00> : vector<1x128xf32>
    %dot_general3A_69 = tpu.matmul %get3A_31, %slice3A_67, %dot_general3A_68 {dimension_numbers = #tpu.dot_dimension_numbers<[0], [1], [1], [0], [0, 1, 1, 0], [], []>, transpose_lhs_hint = false} : vector<128x1xf32>, vector<128x128xf32>, vector<1x128xf32> -> vector<1x128xf32>
    %slice3A_70 = vector.extract_strided_slice %select_n3A {offsets = [1664, 0], sizes = [128, 128], strides = [1, 1]} : vector<4096x128xf32> to vector<128x128xf32>
    %dot_general3A_71 = arith.constant dense<0.000000e+00> : vector<1x128xf32>
    %dot_general3A_72 = tpu.matmul %get3A_31, %slice3A_70, %dot_general3A_71 {dimension_numbers = #tpu.dot_dimension_numbers<[0], [1], [1], [0], [0, 1, 1, 0], [], []>, transpose_lhs_hint = false} : vector<128x1xf32>, vector<128x128xf32>, vector<1x128xf32> -> vector<1x128xf32>
    %slice3A_73 = vector.extract_strided_slice %select_n3A {offsets = [1792, 0], sizes = [128, 128], strides = [1, 1]} : vector<4096x128xf32> to vector<128x128xf32>
    %dot_general3A_74 = arith.constant dense<0.000000e+00> : vector<1x128xf32>
    %dot_general3A_75 = tpu.matmul %get3A_31, %slice3A_73, %dot_general3A_74 {dimension_numbers = #tpu.dot_dimension_numbers<[0], [1], [1], [0], [0, 1, 1, 0], [], []>, transpose_lhs_hint = false} : vector<128x1xf32>, vector<128x128xf32>, vector<1x128xf32> -> vector<1x128xf32>
    %slice3A_76 = vector.extract_strided_slice %select_n3A {offsets = [1920, 0], sizes = [128, 128], strides = [1, 1]} : vector<4096x128xf32> to vector<128x128xf32>
    %dot_general3A_77 = arith.constant dense<0.000000e+00> : vector<1x128xf32>
    %dot_general3A_78 = tpu.matmul %get3A_31, %slice3A_76, %dot_general3A_77 {dimension_numbers = #tpu.dot_dimension_numbers<[0], [1], [1], [0], [0, 1, 1, 0], [], []>, transpose_lhs_hint = false} : vector<128x1xf32>, vector<128x128xf32>, vector<1x128xf32> -> vector<1x128xf32>
    %slice3A_79 = vector.extract_strided_slice %select_n3A {offsets = [2048, 0], sizes = [128, 128], strides = [1, 1]} : vector<4096x128xf32> to vector<128x128xf32>
    %dot_general3A_80 = arith.constant dense<0.000000e+00> : vector<1x128xf32>
    %dot_general3A_81 = tpu.matmul %get3A_31, %slice3A_79, %dot_general3A_80 {dimension_numbers = #tpu.dot_dimension_numbers<[0], [1], [1], [0], [0, 1, 1, 0], [], []>, transpose_lhs_hint = false} : vector<128x1xf32>, vector<128x128xf32>, vector<1x128xf32> -> vector<1x128xf32>
    %slice3A_82 = vector.extract_strided_slice %select_n3A {offsets = [2176, 0], sizes = [128, 128], strides = [1, 1]} : vector<4096x128xf32> to vector<128x128xf32>
    %dot_general3A_83 = arith.constant dense<0.000000e+00> : vector<1x128xf32>
    %dot_general3A_84 = tpu.matmul %get3A_31, %slice3A_82, %dot_general3A_83 {dimension_numbers = #tpu.dot_dimension_numbers<[0], [1], [1], [0], [0, 1, 1, 0], [], []>, transpose_lhs_hint = false} : vector<128x1xf32>, vector<128x128xf32>, vector<1x128xf32> -> vector<1x128xf32>
    %slice3A_85 = vector.extract_strided_slice %select_n3A {offsets = [2304, 0], sizes = [128, 128], strides = [1, 1]} : vector<4096x128xf32> to vector<128x128xf32>
    %dot_general3A_86 = arith.constant dense<0.000000e+00> : vector<1x128xf32>
    %dot_general3A_87 = tpu.matmul %get3A_31, %slice3A_85, %dot_general3A_86 {dimension_numbers = #tpu.dot_dimension_numbers<[0], [1], [1], [0], [0, 1, 1, 0], [], []>, transpose_lhs_hint = false} : vector<128x1xf32>, vector<128x128xf32>, vector<1x128xf32> -> vector<1x128xf32>
    %slice3A_88 = vector.extract_strided_slice %select_n3A {offsets = [2432, 0], sizes = [128, 128], strides = [1, 1]} : vector<4096x128xf32> to vector<128x128xf32>
    %dot_general3A_89 = arith.constant dense<0.000000e+00> : vector<1x128xf32>
    %dot_general3A_90 = tpu.matmul %get3A_31, %slice3A_88, %dot_general3A_89 {dimension_numbers = #tpu.dot_dimension_numbers<[0], [1], [1], [0], [0, 1, 1, 0], [], []>, transpose_lhs_hint = false} : vector<128x1xf32>, vector<128x128xf32>, vector<1x128xf32> -> vector<1x128xf32>
    %slice3A_91 = vector.extract_strided_slice %select_n3A {offsets = [2560, 0], sizes = [128, 128], strides = [1, 1]} : vector<4096x128xf32> to vector<128x128xf32>
    %dot_general3A_92 = arith.constant dense<0.000000e+00> : vector<1x128xf32>
    %dot_general3A_93 = tpu.matmul %get3A_31, %slice3A_91, %dot_general3A_92 {dimension_numbers = #tpu.dot_dimension_numbers<[0], [1], [1], [0], [0, 1, 1, 0], [], []>, transpose_lhs_hint = false} : vector<128x1xf32>, vector<128x128xf32>, vector<1x128xf32> -> vector<1x128xf32>
    %slice3A_94 = vector.extract_strided_slice %select_n3A {offsets = [2688, 0], sizes = [128, 128], strides = [1, 1]} : vector<4096x128xf32> to vector<128x128xf32>
    %dot_general3A_95 = arith.constant dense<0.000000e+00> : vector<1x128xf32>
    %dot_general3A_96 = tpu.matmul %get3A_31, %slice3A_94, %dot_general3A_95 {dimension_numbers = #tpu.dot_dimension_numbers<[0], [1], [1], [0], [0, 1, 1, 0], [], []>, transpose_lhs_hint = false} : vector<128x1xf32>, vector<128x128xf32>, vector<1x128xf32> -> vector<1x128xf32>
    %slice3A_97 = vector.extract_strided_slice %select_n3A {offsets = [2816, 0], sizes = [128, 128], strides = [1, 1]} : vector<4096x128xf32> to vector<128x128xf32>
    %dot_general3A_98 = arith.constant dense<0.000000e+00> : vector<1x128xf32>
    %dot_general3A_99 = tpu.matmul %get3A_31, %slice3A_97, %dot_general3A_98 {dimension_numbers = #tpu.dot_dimension_numbers<[0], [1], [1], [0], [0, 1, 1, 0], [], []>, transpose_lhs_hint = false} : vector<128x1xf32>, vector<128x128xf32>, vector<1x128xf32> -> vector<1x128xf32>
    %slice3A_100 = vector.extract_strided_slice %select_n3A {offsets = [2944, 0], sizes = [128, 128], strides = [1, 1]} : vector<4096x128xf32> to vector<128x128xf32>
    %dot_general3A_101 = arith.constant dense<0.000000e+00> : vector<1x128xf32>
    %dot_general3A_102 = tpu.matmul %get3A_31, %slice3A_100, %dot_general3A_101 {dimension_numbers = #tpu.dot_dimension_numbers<[0], [1], [1], [0], [0, 1, 1, 0], [], []>, transpose_lhs_hint = false} : vector<128x1xf32>, vector<128x128xf32>, vector<1x128xf32> -> vector<1x128xf32>
    %slice3A_103 = vector.extract_strided_slice %select_n3A {offsets = [3072, 0], sizes = [128, 128], strides = [1, 1]} : vector<4096x128xf32> to vector<128x128xf32>
    %dot_general3A_104 = arith.constant dense<0.000000e+00> : vector<1x128xf32>
    %dot_general3A_105 = tpu.matmul %get3A_31, %slice3A_103, %dot_general3A_104 {dimension_numbers = #tpu.dot_dimension_numbers<[0], [1], [1], [0], [0, 1, 1, 0], [], []>, transpose_lhs_hint = false} : vector<128x1xf32>, vector<128x128xf32>, vector<1x128xf32> -> vector<1x128xf32>
    %slice3A_106 = vector.extract_strided_slice %select_n3A {offsets = [3200, 0], sizes = [128, 128], strides = [1, 1]} : vector<4096x128xf32> to vector<128x128xf32>
    %dot_general3A_107 = arith.constant dense<0.000000e+00> : vector<1x128xf32>
    %dot_general3A_108 = tpu.matmul %get3A_31, %slice3A_106, %dot_general3A_107 {dimension_numbers = #tpu.dot_dimension_numbers<[0], [1], [1], [0], [0, 1, 1, 0], [], []>, transpose_lhs_hint = false} : vector<128x1xf32>, vector<128x128xf32>, vector<1x128xf32> -> vector<1x128xf32>
    %slice3A_109 = vector.extract_strided_slice %select_n3A {offsets = [3328, 0], sizes = [128, 128], strides = [1, 1]} : vector<4096x128xf32> to vector<128x128xf32>
    %dot_general3A_110 = arith.constant dense<0.000000e+00> : vector<1x128xf32>
    %dot_general3A_111 = tpu.matmul %get3A_31, %slice3A_109, %dot_general3A_110 {dimension_numbers = #tpu.dot_dimension_numbers<[0], [1], [1], [0], [0, 1, 1, 0], [], []>, transpose_lhs_hint = false} : vector<128x1xf32>, vector<128x128xf32>, vector<1x128xf32> -> vector<1x128xf32>
    %slice3A_112 = vector.extract_strided_slice %select_n3A {offsets = [3456, 0], sizes = [128, 128], strides = [1, 1]} : vector<4096x128xf32> to vector<128x128xf32>
    %dot_general3A_113 = arith.constant dense<0.000000e+00> : vector<1x128xf32>
    %dot_general3A_114 = tpu.matmul %get3A_31, %slice3A_112, %dot_general3A_113 {dimension_numbers = #tpu.dot_dimension_numbers<[0], [1], [1], [0], [0, 1, 1, 0], [], []>, transpose_lhs_hint = false} : vector<128x1xf32>, vector<128x128xf32>, vector<1x128xf32> -> vector<1x128xf32>
    %slice3A_115 = vector.extract_strided_slice %select_n3A {offsets = [3584, 0], sizes = [128, 128], strides = [1, 1]} : vector<4096x128xf32> to vector<128x128xf32>
    %dot_general3A_116 = arith.constant dense<0.000000e+00> : vector<1x128xf32>
    %dot_general3A_117 = tpu.matmul %get3A_31, %slice3A_115, %dot_general3A_116 {dimension_numbers = #tpu.dot_dimension_numbers<[0], [1], [1], [0], [0, 1, 1, 0], [], []>, transpose_lhs_hint = false} : vector<128x1xf32>, vector<128x128xf32>, vector<1x128xf32> -> vector<1x128xf32>
    %slice3A_118 = vector.extract_strided_slice %select_n3A {offsets = [3712, 0], sizes = [128, 128], strides = [1, 1]} : vector<4096x128xf32> to vector<128x128xf32>
    %dot_general3A_119 = arith.constant dense<0.000000e+00> : vector<1x128xf32>
    %dot_general3A_120 = tpu.matmul %get3A_31, %slice3A_118, %dot_general3A_119 {dimension_numbers = #tpu.dot_dimension_numbers<[0], [1], [1], [0], [0, 1, 1, 0], [], []>, transpose_lhs_hint = false} : vector<128x1xf32>, vector<128x128xf32>, vector<1x128xf32> -> vector<1x128xf32>
    %slice3A_121 = vector.extract_strided_slice %select_n3A {offsets = [3840, 0], sizes = [128, 128], strides = [1, 1]} : vector<4096x128xf32> to vector<128x128xf32>
    %dot_general3A_122 = arith.constant dense<0.000000e+00> : vector<1x128xf32>
    %dot_general3A_123 = tpu.matmul %get3A_31, %slice3A_121, %dot_general3A_122 {dimension_numbers = #tpu.dot_dimension_numbers<[0], [1], [1], [0], [0, 1, 1, 0], [], []>, transpose_lhs_hint = false} : vector<128x1xf32>, vector<128x128xf32>, vector<1x128xf32> -> vector<1x128xf32>
    %slice3A_124 = vector.extract_strided_slice %select_n3A {offsets = [3968, 0], sizes = [128, 128], strides = [1, 1]} : vector<4096x128xf32> to vector<128x128xf32>
    %dot_general3A_125 = arith.constant dense<0.000000e+00> : vector<1x128xf32>
    %dot_general3A_126 = tpu.matmul %get3A_31, %slice3A_124, %dot_general3A_125 {dimension_numbers = #tpu.dot_dimension_numbers<[0], [1], [1], [0], [0, 1, 1, 0], [], []>, transpose_lhs_hint = false} : vector<128x1xf32>, vector<128x128xf32>, vector<1x128xf32> -> vector<1x128xf32>
    %concatenate3A = tpu.concatenate %dot_general3A_33, %dot_general3A_36, %dot_general3A_39, %dot_general3A_42, %dot_general3A_45, %dot_general3A_48, %dot_general3A_51, %dot_general3A_54, %dot_general3A_57, %dot_general3A_60, %dot_general3A_63, %dot_general3A_66, %dot_general3A_69, %dot_general3A_72, %dot_general3A_75, %dot_general3A_78, %dot_general3A_81, %dot_general3A_84, %dot_general3A_87, %dot_general3A_90, %dot_general3A_93, %dot_general3A_96, %dot_general3A_99, %dot_general3A_102, %dot_general3A_105, %dot_general3A_108, %dot_general3A_111, %dot_general3A_114, %dot_general3A_117, %dot_general3A_120, %dot_general3A_123, %dot_general3A_126 in 0 : vector<1x128xf32>, vector<1x128xf32>, vector<1x128xf32>, vector<1x128xf32>, vector<1x128xf32>, vector<1x128xf32>, vector<1x128xf32>, vector<1x128xf32>, vector<1x128xf32>, vector<1x128xf32>, vector<1x128xf32>, vector<1x128xf32>, vector<1x128xf32>, vector<1x128xf32>, vector<1x128xf32>, vector<1x128xf32>, vector<1x128xf32>, vector<1x128xf32>, vector<1x128xf32>, vector<1x128xf32>, vector<1x128xf32>, vector<1x128xf32>, vector<1x128xf32>, vector<1x128xf32>, vector<1x128xf32>, vector<1x128xf32>, vector<1x128xf32>, vector<1x128xf32>, vector<1x128xf32>, vector<1x128xf32>, vector<1x128xf32>, vector<1x128xf32> -> vector<32x128xf32>
    %get3A_127 = arith.constant 0 : index
    %get3A_128 = arith.constant 0 : index
    %get3A_129 = vector.load %arg6[%get3A_127, %get3A_128] : memref<1x1xf32, #tpu.memory_space<vmem>>, vector<1x1xf32>
    %get3A_130 = vector.extract %get3A_129[0, 0] : f32 from vector<1x1xf32>
    %add3A_131 = vector.broadcast %get3A_130 : f32 to vector<32x128xf32>
    %add3A_132 = arith.addf %concatenate3A, %add3A_131 : vector<32x128xf32>
    %swap3A = arith.constant 0 : index
    %swap3A_133 = arith.constant 0 : index
    %swap3A_134 = vector.load %arg7[%swap3A, %swap3A_133] : memref<32x128xf32, #tpu.memory_space<vmem>>, vector<32x128xf32>
    tpu.vector_store %arg7[%swap3A, %swap3A_133], %add3A_132 {strides = array<i32>} : memref<32x128xf32, #tpu.memory_space<vmem>>, vector<32x128xf32>,
    return
  }
  func.func @transform_0(%arg0: i32) -> (i32, i32, i32) {
    %c0_i32 = arith.constant 0 : i32
    %c0_i32_0 = arith.constant 0 : i32
    %c0_i32_1 = arith.constant 0 : i32
    return %c0_i32, %arg0, %c0_i32_0 : i32, i32, i32
  }
  func.func @transform_1(%arg0: i32) -> (i32, i32) {
    %c0_i32 = arith.constant 0 : i32
    %c0_i32_0 = arith.constant 0 : i32
    %c0_i32_1 = arith.constant 0 : i32
    return %c0_i32, %c0_i32_0 : i32, i32
  }
  func.func @transform_2(%arg0: i32) -> (i32, i32) {
    %c0_i32 = arith.constant 0 : i32
    %c0_i32_0 = arith.constant 0 : i32
    %c0_i32_1 = arith.constant 0 : i32
    return %c0_i32, %c0_i32_0 : i32, i32
  }
  func.func @transform_3(%arg0: i32) -> (i32, i32) {
    %c0_i32 = arith.constant 0 : i32
    %c0_i32_0 = arith.constant 0 : i32
    %c0_i32_1 = arith.constant 0 : i32
    return %c0_i32, %c0_i32_0 : i32, i32
  }
  func.func @transform_4(%arg0: i32) -> (i32, i32) {
    %c0_i32 = arith.constant 0 : i32
    %c0_i32_0 = arith.constant 0 : i32
    %c0_i32_1 = arith.constant 0 : i32
    return %c0_i32, %c0_i32_0 : i32, i32
  }
  func.func @transform_5(%arg0: i32) -> (i32, i32) {
    %c0_i32 = arith.constant 0 : i32
    %c0_i32_0 = arith.constant 0 : i32
    %c0_i32_1 = arith.constant 0 : i32
    return %c0_i32, %c0_i32_0 : i32, i32
  }
  func.func @transform_6(%arg0: i32) -> (i32, i32) {
    %c0_i32 = arith.constant 0 : i32
    %c0_i32_0 = arith.constant 0 : i32
    return %arg0, %c0_i32 : i32, i32
  }
}

</mosaic_0001>

<sc_bundles>
// kernel: kernel.4.cloned.1.call-start
scs
__scs_entry_jumppad:
0x0: {  	(pc) =	sbr.rel $0x88, $3  }
0x1: {  	(tag) =	ssettag $0x0;
	lr =	simm.s32 $0x1  }
0x2: {  	[smem:$0x3F9B] =	sst lr;
	_ =	strace $0xD0000000  }
0x3: {  	_ = 	snop  }
0x4: {  	_ = 	snop  }
0x5: {  	_ = 	snop  }
0x6: {  	_ = 	snop  }
0x7: {  	_ = 	snop  }
__scs_overlays_trampoline_lowered:
0x8: {  	[smem:$0x3FAA] =	sst s0  }
0x9: {  	[smem:$0x3FAB] =	sst s1  }
0xa: {  	[smem:$0x3FAC] =	sst s2  }
0xb: {  	[smem:$0x3FAD] =	sst s3  }
0xc: {  	[smem:$0x3FAE] =	sst s4  }
0xd: {  	[smem:$0x3FAF] =	sst s5  }
0xe: {  	[smem:$0x3FB0] =	sst s6  }
0xf: {  	[smem:$0x3FB1] =	sst s7  }
0x10: {  	[smem:$0x3FB2] =	sst s8  }
0x11: {  	[smem:$0x3FB3] =	sst s9;
	s0 =	simm.s32 @!p0 $0x0  }
0x12: {  	s1 =	sld [smem:$0x3F99];
	s0 =	simm.s32 @p0 $0x1  }
0x13: {  	[smem:$0x3FB4] =	sst s0;
	s0 =	simm.s32 @!p1 $0x0  }
0x14: {  	s2 =	sld [smem:$0x3F98];
	s0 =	simm.s32 @p1 $0x1  }
0x15: {  	[smem:$0x3FB5] =	sst s0;
	s0 =	simm.s32 @!p2 $0x0  }
0x16: {  	s3 =	sld [smem:$0x3FDB];
	s0 =	simm.s32 @p2 $0x1  }
0x17: {  	s4 =	simm.s32 $0x1BF5;
	[smem:$0x3FB7] =	sst s0  }
0x18: {  	s0 =	sld [smem:$0x3F9A];
	_ =	swait.ge [sflag:s4], $0x0  }
0x19: {  	s7 =	sld [smem:$0x3F9B]  }
0x1a: {  	s8 =	sadd.s32 $0xFFFFE003, lr  }
0x1b: {  	s9 =	sadd.s32 $0xFFFFFEF7, lr;
	s5 =	simm.s32 $0xFFFFFFFF;
	p2 =	slt.u32 s8, $0xFFFFF086  }
0x1c: {  	p1 =	slt.u32 s9, $0xF7A;
	s5 =	simm.s32 @!p2 $0x0  }
0x1d: {  	s5 =	simm.s32 @p1 $0x1;
	p0 =	seq.s32 s7, s2  }
0x1e: {  	s7 =	smul.u32 @!p0 $0xF7A, s2;
	p2 =	seq.s32 @!p0 s5, $0x0  }
0x1f: {  	s9 =	smul.u32 $0xF7A, s1;
	s8 =	simm.s32 @!p0 $0x1BF5;
	p2 =	por !p2, p0  }
0x20: {  	[sflag:s8] =	ssyncset.s32 @!p0 $0xFFFFF086;
	s6 =	sadd.s32 @!p0 s3, s7;
	s7 =	simm.s32 @!p0 $0x108  }
0x21: {  	s3 =	sadd.s32 s3, s9;
	s6 =	sadd.s32 @!p0 $0x88, s6;
	s7 =	simm.s32 @p2 $0x1082  }
0x22: {  	[simem:s7], [sflag:s8] =	dma.local @!p0 [hbm:s6], $0xF7A  }
0x23: {  	s9 =	sor.u32 $0xD0000000, s2;
	s6 =	simm.s32 $0x108;
	_ =	swait.ge @!p0 [sflag:s8], $0x0  }
0x24: {  	s3 =	sadd.s32 $0x88, s3;
	s6 =	simm.s32 @!p1 $0x1082;
	[sflag:s4] =	ssyncset.s32 $0xFFFFF086  }
0x25: {  	[simem:s6], [sflag:s4] =	dma.local [hbm:s3], $0xF7A  }
0x26: {  	[smem:$0x3F9B] =	sst s1;
	(tag) =	ssettag s2;
	_ =	strace s9  }
0x27: {  	s1 =	sld [smem:$0x3FAB]  }
0x28: {  	s2 =	sld [smem:$0x3FAC]  }
0x29: {  	s4 =	sld [smem:$0x3FAE]  }
0x2a: {  	p0 =	seq.s32 s5, $0x0;
	s5 =	sld [smem:$0x3FAF]  }
0x2b: {  	s6 =	sld [smem:$0x3FB0]  }
0x2c: {  	s7 =	sld [smem:$0x3FB1]  }
0x2d: {  	s3 =	simm.s32 $0x108;
	s8 =	sld [smem:$0x3FB2]  }
0x2e: {  	s3 =	simm.s32 @!p0 $0x1082;
	s9 =	sld [smem:$0x3FB3]  }
0x2f: {  	lr =	sadd.s32 s0, s3;
	s0 =	sld [smem:$0x3FAA]  }
0x30: {  	s3 =	sld [smem:$0x3FAD]  }
0x31: {  	[smem:$0x3FB6] =	sst s10  }
0x32: {  	s10 =	sld [smem:$0x3FB4];
	_ =	sdelay $0x3  }
0x33: {  	p0 =	seq.s32 s10, $0x1;
	s10 =	sld [smem:$0x3FB6];
	_ =	sdelay $0x3  }
0x34: {  	[smem:$0x3FB6] =	sst s10  }
0x35: {  	s10 =	sld [smem:$0x3FB5];
	_ =	sdelay $0x3  }
0x36: {  	p1 =	seq.s32 s10, $0x1;
	s10 =	sld [smem:$0x3FB6];
	_ =	sdelay $0x3  }
0x37: {  	[smem:$0x3FB6] =	sst s10  }
0x38: {  	s10 =	sld [smem:$0x3FB7]  }
0x39: {  	_ = 	snop;
	(pc) =	sbr.ind lr, $3  }
0x3a: {  	_ = 	snop  }
0x3b: {  	_ = 	snop  }
0x3c: {  	p2 =	seq.s32 s10, $0x1;
	s10 =	sld [smem:$0x3FB6]  }
0x3d: {  	_ =	shalt  }
0x3e: {  	_ =	shalt  }
0x3f: {  	_ =	shalt  }
0x40: {  	_ =	shalt  }
0x41: {  	_ =	shalt  }
0x42: {  	_ =	shalt  }
0x43: {  	_ =	shalt  }
0x44: {  	_ =	shalt  }
0x45: {  	_ =	shalt  }
0x46: {  	_ =	shalt  }
0x47: {  	_ =	shalt  }
0x48: {  	_ =	shalt  }
0x49: {  	_ =	shalt  }
0x4a: {  	_ =	shalt  }
0x4b: {  	_ =	shalt  }
0x4c: {  	_ =	shalt  }
0x4d: {  	_ =	shalt  }
0x4e: {  	_ =	shalt  }
0x4f: {  	_ =	shalt  }
0x50: {  	_ =	shalt  }
0x51: {  	_ =	shalt  }
0x52: {  	_ =	shalt  }
0x53: {  	_ =	shalt  }
0x54: {  	_ =	shalt  }
0x55: {  	_ =	shalt  }
0x56: {  	_ =	shalt  }
0x57: {  	_ =	shalt  }
0x58: {  	_ =	shalt  }
0x59: {  	_ =	shalt  }
0x5a: {  	_ =	shalt  }
0x5b: {  	_ =	shalt  }
0x5c: {  	_ =	shalt  }
0x5d: {  	_ =	shalt  }
0x5e: {  	_ =	shalt  }
0x5f: {  	_ =	shalt  }
0x60: {  	_ =	shalt  }
0x61: {  	_ =	shalt  }
0x62: {  	_ =	shalt  }
0x63: {  	_ =	shalt  }
0x64: {  	_ =	shalt  }
0x65: {  	_ =	shalt  }
0x66: {  	_ =	shalt  }
0x67: {  	_ =	shalt  }
0x68: {  	_ =	shalt  }
0x69: {  	_ =	shalt  }
0x6a: {  	_ =	shalt  }
0x6b: {  	_ =	shalt  }
0x6c: {  	_ =	shalt  }
0x6d: {  	_ =	shalt  }
0x6e: {  	_ =	shalt  }
0x6f: {  	_ =	shalt  }
0x70: {  	_ =	shalt  }
0x71: {  	_ =	shalt  }
0x72: {  	_ =	shalt  }
0x73: {  	_ =	shalt  }
0x74: {  	_ =	shalt  }
0x75: {  	_ =	shalt  }
0x76: {  	_ =	shalt  }
0x77: {  	_ =	shalt  }
0x78: {  	_ =	shalt  }
0x79: {  	_ =	shalt  }
0x7a: {  	_ =	shalt  }
0x7b: {  	_ =	shalt  }
0x7c: {  	_ =	shalt  }
0x7d: {  	_ =	shalt  }
0x7e: {  	_ =	shalt  }
0x7f: {  	_ =	shalt  }
0x80: {  	_ =	shalt  }
0x81: {  	_ =	shalt  }
0x82: {  	_ =	shalt  }
0x83: {  	_ =	shalt  }
0x84: {  	_ =	shalt  }
0x85: {  	_ =	shalt  }
0x86: {  	_ =	shalt  }
0x87: {  	_ =	shalt  }
.Lfunc_end0:
.L_simem_size_0:
called_computation_lowered:
.L_overlay_start_0:
0x88: {  	s2 =	sld [smem:$0x3FD9]  }
0x89: {  	s3 =	sld [smem:$0x3FFE];
	_ =	sdelay $0x1  }
0x8a: {  	s1 =	srdreg.scid  }
0x8b: {  	s0 =	sand.u32 $0x1, s1  }
0x8c: {  	s17 =	sshll.u32 s0, $0xA;
	s2 =	sadd.s32 s3, s2  }
0x8d: {  	s2 =	sadd.s32 s2, s17  }
0x8e: {  	[smem:$0x3FC2] =	sst s2  }
0x8f: {  	_ = 	snop  }
0x90: {  	s2 =	sld [smem:$0x3FC8];
	(tm) =	ssettm $0x1  }
0x91: {  	s18 =	sld [smem:$0x3FFB];
	_ =	sdelay $0x3  }
0x92: {  	_ =	strace s18  }
0x93: {  	s3 =	sld [smem:$0x3FFC];
	_ =	sdelay $0x3  }
0x94: {  	_ =	strace s3  }
0x95: {  	s3 =	sld [smem:$0x3FFD];
	_ =	sdelay $0x3  }
0x96: {  	_ =	strace s3  }
0x97: {  	_ =	strace $0x8FFFFFFF  }
0x98: {  	s19 =	sld [smem:$0x3FDB];
	_ =	sdelay $0x1  }
0x99: {  	s4 =	simm.s32 $_scs_section_size  }
0x9a: {  	s5 =	simm.s32 $_size__tile_overlayer_lowered;
	s6 =	simm.s32 $_tile_overlayer_lowered  }
0x9b: {  	s22 =	simm.s32 $0x1BFF;
	s21 =	sshll.u32 s6, $0x1;
	s3 =	sadd.s32 s4, s19  }
0x9c: {  	s7 =	simm.s32 $0x0;
	s20 =	sshll.u32 s5, $0x1;
	s5 =	sadd.s32 s21, s3  }
0x9d: {  	[timem:s7], [sflag:s22] =	dma.local [hbm:s5], s20  }
0x9e: {  	_ =	swait.ge [sflag:s22], s20  }
0x9f: {  	s4 =	ssub.s32 $0x0, s20;
	[sflag:s22] =	ssyncset.done $0x0  }
0xa0: {  	[sflag:s22] =	ssyncadd.s32 s4;
	_ =	sdelay $0x1  }
0xa1: {  	s23 =	simm.s32 $0x1B8B  }
0xa2: {  	_ =	swait.ge [sflag:s23], $0x1  }
0xa3: {  	[sflag:s23] =	ssyncset.done $0x0  }
0xa4: {  	s25 =	simm.s32 $0x1B8E;
	s24 =	sld [smem:$0x3FFE];
	[sflag:s23] =	ssyncadd.s32 $0xFFFFFFFF  }
0xa5: {  	s26 =	simm.s32 $execute0_lowered;
	[smem:$0x3FD2] =	sst s25  }
0xa6: {  	s5 =	sshll.u32 s26, $0x1;
	_ =	strace $0x80000046;
	[dreg:$0x1] =	wrdreg $0xFFFFFFFF  }
0xa7: {  	s28 =	simm.s32 $_size_execute0_lowered;
	s3 =	sadd.s32 s3, s5;
	[dreg:$0x0] =	wrdreg $0x0  }
0xa8: {  	s5 =	sshll.u32 s28, $0x1;
	[dreg:$0x2] =	wrdreg s3  }
0xa9: {  	[dreg:$0x3] =	wrdreg s5  }
0xaa: {  	[dreg:$0x4] =	wrdreg $0xC0  }
0xab: {  	_ =	task [dreg:s7], $0x5FFFF  }
0xac: {  	[dreg:$0x1] =	wrdreg $0xFFFFFFFF  }
0xad: {  	[dreg:$0x0] =	wrdreg $0x60  }
0xae: {  	[dreg:$0x2] =	wrdreg s2  }
0xaf: {  	[dreg:$0x3] =	wrdreg s24  }
0xb0: {  	[dreg:$0x4] =	wrdreg $0x9  }
0xb1: {  	_ =	task.clear_ibuf [dreg:s7], $0x5FFFF;
	_ =	strace $0x90000046  }
0xb2: {  	s29 =	simm.s32 $0x9;
	_ =	strace $0x80000048  }
0xb3: {  	_ =	swait.ge [sflag:s29], $0x1  }
0xb4: {  	[sflag:s29] =	ssyncadd.s32 $0xFFFFFFFF  }
0xb5: {  	_ =	strace $0x90000048  }
0xb6: {  	_ =	sfence  }
0xb7: {  	s30 =	sld [smem:$0x0];
	_ =	sdelay $0x2  }
0xb8: {  	s31 =	sshll.u32 s1, $0xD;
	s1 =	sshrl.u32 s1, $0x2  }
0xb9: {  	s3 =	sand.u32 $0x4000, s31;
	s1 =	sadd.s32 s1, s30  }
0xba: {  	s0 =	sor.u32 s3, s0;
	s1 =	sshll.u32 s1, $0x11  }
0xbb: {  	s0 =	sor.u32 s1, s0  }
0xbc: {  	s0 =	sadd.s32 $0x8F2B, s0  }
0xbd: {  	[sflag:s0] =	ssyncadd.remote.s32 $0x1  }
0xbe: {  	_ =	sfence.sel $0xFFFF  }
0xbf: {  	[dreg:$0x0] =	wrdreg $0xFFFFFFFF;
	(pc) =	sbr.abs _section_cstart, $3  }
0xc0: {  	[dreg:$0x1] =	wrdreg $0xFFFFFFFF  }
0xc1: {  	_ =	task.clear_ibuf [dreg:s7], $0x2FFFF;
	_ =	strace $0x9FFFFFFF  }
0xc2: {  	(tm) =	ssettm $0x7FFFFFFF  }
0xc3: {  	_ =	shalt  }
tec
execute0_lowered:
.L_overlay_start_1:
0x0: {  	(tag) =	ssettag $0x1  }
0x1: {  	s2 =	rddreg [dreg:$0x0]  }
0x2: {  	s1 =	stileid.u32;
	s0 =	srdreg.scid  }
0x3: {  	s4 =	rddreg [dreg:$0x1];
	s5 =	sshll.u32 s1, $0x7;
	s0 =	sand.u32 $0x1, s0  }
0x4: {  	s3 =	simm.s32 $0x0;
	s5 =	sadd.s32 s5, s4;
	s6 =	sshll.u32 s0, $0xB  }
0x5: {  	s7 =	sshll.u32 s1, $0xE;
	s26 =	sshll.u32 s0, $0x12;
	s5 =	sadd.s32 s6, s5  }
0x6: {  	[smem:$0x7FF] =	sst s3;
	s6 =	sor.u32 s7, s26;
	s5 =	sadd.s32 $0xE00, s5  }
0x7: {  	_ =	strace $0x80000047;
	s31 =	sadd.s32 s6, s4;
	[dreg:$0x3] =	wrdreg s5  }
0x8: {  	s4 =	sadd.s32 $0x1E00, s31;
	s5 =	rddreg [dreg:$0x3]  }
0x9: {  	[dreg:$0x4] =	wrdreg s4;
	s4 =	simm.s32 $0x9  }
0xa: {  	[tilespmem:s3], [sflag:$0x9] =	stream.linear.gather [hbm4b:s5+s3], $0x400, $0x38;
	[tilespmem:$0x10400] =	vst v63  }
0xb: {  	_ =	swait.ge [sflag:s4], $0x400  }
0xc: {  	[sflag:s4] =	ssyncset.done $0x0  }
0xd: {  	s6 =	simm.s32 $0x400;
	s5 =	simm.s32 $0x80;
	[sflag:s4] =	ssyncadd.s32 $0xFFFFFC00  }
0xe: {  	[tilespmem:s6], [sflag:$0x1] =	stream.indirect.gather [hbm4b:s2+s5], $0x80, s3, s5, $0xb8;
	[tilespmem:$0x10400] =	vst v63  }
0xf: {  	s7 =	simm.s32 $0x4400  }
0x10: {  	[tilespmem:s7], [sflag:$0x2] =	stream.indirect.gather [hbm4b:s2+s5], $0x80, s5, s5, $0xb8;
	[tilespmem:$0x10400] =	vst v63  }
0x11: {  	s8 =	simm.s32 $0x100;
	s9 =	simm.s32 $0x8400;
	s10 =	simm.s32 $0x1  }
0x12: {  	[tilespmem:s9], [sflag:$0x3] =	stream.indirect.gather [hbm4b:s2+s5], $0x80, s8, s5, $0xb8;
	[tilespmem:$0x10400] =	vst v63  }
0x13: {  	_ =	swait.ge [sflag:s10], $0x4000  }
0x14: {  	[sflag:s10] =	ssyncset.done $0x0  }
0x15: {  	s11 =	rddreg [dreg:$0x4];
	[sflag:s10] =	ssyncadd.s32 $0xFFFFC000  }
0x16: {  	[hbm4b:s11+s3] =	stream.linear.scatter [tilespmem:s6], [sflag:$0x5], $0x4000, $0x38;
	[tilespmem:$0x10400] =	vst v63  }
0x17: {  	s12 =	simm.s32 $0xC400;
	s13 =	simm.s32 $0x2;
	s11 =	simm.s32 $0x180  }
0x18: {  	[tilespmem:s12], [sflag:$0x4] =	stream.indirect.gather [hbm4b:s2+s5], $0x80, s11, s5, $0xb8;
	[tilespmem:$0x10400] =	vst v63  }
0x19: {  	_ =	swait.ge [sflag:s13], $0x4000  }
0x1a: {  	[sflag:s13] =	ssyncset.done $0x0  }
0x1b: {  	s15 =	simm.s32 $0x5;
	s14 =	sadd.s32 $0x2600, s31;
	[sflag:s13] =	ssyncadd.s32 $0xFFFFC000  }
0x1c: {  	[hbm4b:s14+s3] =	stream.linear.scatter [tilespmem:s7], [sflag:$0x6], $0x4000, $0x38;
	[tilespmem:$0x10400] =	vst v63  }
0x1d: {  	_ =	swait.ge [sflag:s15], $0x4000  }
0x1e: {  	[sflag:s15] =	ssyncset.done $0x0  }
0x1f: {  	s16 =	simm.s32 $0x200;
	s17 =	simm.s32 $0x3;
	[sflag:s15] =	ssyncadd.s32 $0xFFFFC000  }
0x20: {  	[tilespmem:s6], [sflag:$0x1] =	stream.indirect.gather [hbm4b:s2+s5], $0x80, s16, s5, $0xb8;
	[tilespmem:$0x10400] =	vst v63  }
0x21: {  	_ =	swait.ge [sflag:s17], $0x4000  }
0x22: {  	[sflag:s17] =	ssyncset.done $0x0  }
0x23: {  	s19 =	simm.s32 $0x6;
	s18 =	sadd.s32 $0x2E00, s31;
	[sflag:s17] =	ssyncadd.s32 $0xFFFFC000  }
0x24: {  	[hbm4b:s18+s3] =	stream.linear.scatter [tilespmem:s9], [sflag:$0x7], $0x4000, $0x38;
	[tilespmem:$0x10400] =	vst v63  }
0x25: {  	_ =	swait.ge [sflag:s19], $0x4000  }
0x26: {  	[sflag:s19] =	ssyncset.done $0x0  }
0x27: {  	s20 =	simm.s32 $0x280;
	s21 =	simm.s32 $0x4;
	[sflag:s19] =	ssyncadd.s32 $0xFFFFC000  }
0x28: {  	[tilespmem:s7], [sflag:$0x2] =	stream.indirect.gather [hbm4b:s2+s5], $0x80, s20, s5, $0xb8;
	[tilespmem:$0x10400] =	vst v63  }
0x29: {  	_ =	swait.ge [sflag:s21], $0x4000  }
0x2a: {  	[sflag:s21] =	ssyncset.done $0x0  }
0x2b: {  	s23 =	simm.s32 $0x7;
	s22 =	sadd.s32 $0x3600, s31;
	[sflag:s21] =	ssyncadd.s32 $0xFFFFC000  }
0x2c: {  	[hbm4b:s22+s3] =	stream.linear.scatter [tilespmem:s12], [sflag:$0x8], $0x4000, $0x38;
	[tilespmem:$0x10400] =	vst v63  }
0x2d: {  	_ =	swait.ge [sflag:s23], $0x4000  }
0x2e: {  	[sflag:s23] =	ssyncset.done $0x0  }
0x2f: {  	s24 =	simm.s32 $0x300;
	[sflag:s23] =	ssyncadd.s32 $0xFFFFC000  }
0x30: {  	[tilespmem:s9], [sflag:$0x3] =	stream.indirect.gather [hbm4b:s2+s5], $0x80, s24, s5, $0xb8;
	[tilespmem:$0x10400] =	vst v63  }
0x31: {  	_ =	swait.ge [sflag:s10], $0x4000  }
0x32: {  	[sflag:s10] =	ssyncset.done $0x0  }
0x33: {  	s25 =	simm.s32 $0x8;
	s26 =	sadd.s32 $0x3E00, s31;
	[sflag:s10] =	ssyncadd.s32 $0xFFFFC000  }
0x34: {  	[hbm4b:s26+s3] =	stream.linear.scatter [tilespmem:s6], [sflag:$0x5], $0x4000, $0x38;
	[tilespmem:$0x10400] =	vst v63  }
0x35: {  	_ =	swait.ge [sflag:s25], $0x4000  }
0x36: {  	[sflag:s25] =	ssyncset.done $0x0  }
0x37: {  	s28 =	simm.s32 $0x380;
	[sflag:s25] =	ssyncadd.s32 $0xFFFFC000  }
0x38: {  	[tilespmem:s12], [sflag:$0x4] =	stream.indirect.gather [hbm4b:s2+s5], $0x80, s28, s5, $0xb8;
	[tilespmem:$0x10400] =	vst v63  }
0x39: {  	_ =	swait.ge [sflag:s13], $0x4000  }
0x3a: {  	[sflag:s13] =	ssyncset.done $0x0  }
0x3b: {  	s29 =	sadd.s32 $0x4600, s31;
	[sflag:s13] =	ssyncadd.s32 $0xFFFFC000  }
0x3c: {  	[hbm4b:s29+s3] =	stream.linear.scatter [tilespmem:s7], [sflag:$0x6], $0x4000, $0x38;
	[tilespmem:$0x10400] =	vst v63  }
0x3d: {  	_ =	swait.ge [sflag:s17], $0x4000  }
0x3e: {  	[sflag:s17] =	ssyncset.done $0x0  }
0x3f: {  	s30 =	sadd.s32 $0x4E00, s31;
	[sflag:s17] =	ssyncadd.s32 $0xFFFFC000  }
0x40: {  	[hbm4b:s30+s3] =	stream.linear.scatter [tilespmem:s9], [sflag:$0x7], $0x4000, $0x38;
	[tilespmem:$0x10400] =	vst v63  }
0x41: {  	_ =	swait.ge [sflag:s21], $0x4000  }
0x42: {  	[sflag:s21] =	ssyncset.done $0x0  }
0x43: {  	s31 =	sadd.s32 $0x5600, s31;
	[sflag:s21] =	ssyncadd.s32 $0xFFFFC000  }
0x44: {  	[hbm4b:s31+s3] =	stream.linear.scatter [tilespmem:s12], [sflag:$0x8], $0x4000, $0x38;
	[tilespmem:$0x10400] =	vst v63  }
0x45: {  	s0 =	ssub.s32 $0x2, s0;
	_ =	swait.ge [sflag:s15], $0x4000  }
0x46: {  	s1 =	sshrl.u32 s0, $0x1;
	[sflag:s15] =	ssyncset.done $0x0  }
0x47: {  	s0 =	ssub.s32 s0, s1;
	[sflag:s15] =	ssyncadd.s32 $0xFFFFC000  }
0x48: {  	s0 =	smax.u32 s0, $0x1;
	_ =	swait.ge [sflag:s19], $0x4000  }
0x49: {  	p0 =	sne.s32 s0, $0x1;
	[sflag:s19] =	ssyncset.done $0x0  }
.Ltmp0:
0x4a: {  	[sflag:s19] =	ssyncadd.s32 $0xFFFFC000;
	(pc) =	sbr.rel @!p0 .LBB2_2-.Ltmp0, $4  }
0x4b: {  	_ =	swait.ge [sflag:s23], $0x4000  }
0x4c: {  	[sflag:s23] =	ssyncset.done $0x0  }
0x4d: {  	[sflag:s23] =	ssyncadd.s32 $0xFFFFC000  }
0x4e: {  	s0 =	sadd.s32 $0xFFFFFFFF, s0;
	_ =	swait.ge [sflag:s25], $0x4000  }
.LBB2_1:
0x4f: {  	[sflag:s25] =	ssyncset.done $0x0  }
0x50: {  	s1 =	rddreg [dreg:$0x3];
	[sflag:s25] =	ssyncadd.s32 $0xFFFFC000  }
0x51: {  	[tilespmem:s3], [sflag:$0x9] =	stream.linear.gather [hbm4b:s1+s3], $0x400, $0x38;
	[tilespmem:$0x10400] =	vst v63  }
0x52: {  	_ =	swait.ge [sflag:s4], $0x400  }
0x53: {  	[sflag:s4] =	ssyncset.done $0x0  }
0x54: {  	[sflag:s4] =	ssyncadd.s32 $0xFFFFFC00  }
0x55: {  	[tilespmem:s6], [sflag:$0x1] =	stream.indirect.gather [hbm4b:s2+s5], $0x80, s3, s5, $0xb8;
	[tilespmem:$0x10400] =	vst v63  }
0x56: {  	_ = 	snop  }
0x57: {  	[tilespmem:s7], [sflag:$0x2] =	stream.indirect.gather [hbm4b:s2+s5], $0x80, s5, s5, $0xb8;
	[tilespmem:$0x10400] =	vst v63  }
0x58: {  	_ = 	snop  }
0x59: {  	[tilespmem:s9], [sflag:$0x3] =	stream.indirect.gather [hbm4b:s2+s5], $0x80, s8, s5, $0xb8;
	[tilespmem:$0x10400] =	vst v63  }
0x5a: {  	_ =	swait.ge [sflag:s10], $0x4000  }
0x5b: {  	[sflag:s10] =	ssyncset.done $0x0  }
0x5c: {  	s1 =	rddreg [dreg:$0x4];
	[sflag:s10] =	ssyncadd.s32 $0xFFFFC000  }
0x5d: {  	[hbm4b:s1+s3] =	stream.linear.scatter [tilespmem:s6], [sflag:$0x5], $0x4000, $0x38;
	[tilespmem:$0x10400] =	vst v63  }
0x5e: {  	_ = 	snop  }
0x5f: {  	[tilespmem:s12], [sflag:$0x4] =	stream.indirect.gather [hbm4b:s2+s5], $0x80, s11, s5, $0xb8;
	[tilespmem:$0x10400] =	vst v63  }
0x60: {  	_ =	swait.ge [sflag:s13], $0x4000  }
0x61: {  	[sflag:s13] =	ssyncset.done $0x0  }
0x62: {  	[sflag:s13] =	ssyncadd.s32 $0xFFFFC000  }
0x63: {  	[hbm4b:s14+s3] =	stream.linear.scatter [tilespmem:s7], [sflag:$0x6], $0x4000, $0x38;
	[tilespmem:$0x10400] =	vst v63  }
0x64: {  	_ =	swait.ge [sflag:s15], $0x4000  }
0x65: {  	[sflag:s15] =	ssyncset.done $0x0  }
0x66: {  	[sflag:s15] =	ssyncadd.s32 $0xFFFFC000  }
0x67: {  	[tilespmem:s6], [sflag:$0x1] =	stream.indirect.gather [hbm4b:s2+s5], $0x80, s16, s5, $0xb8;
	[tilespmem:$0x10400] =	vst v63  }
0x68: {  	_ =	swait.ge [sflag:s17], $0x4000  }
0x69: {  	[sflag:s17] =	ssyncset.done $0x0  }
0x6a: {  	[sflag:s17] =	ssyncadd.s32 $0xFFFFC000  }
0x6b: {  	[hbm4b:s18+s3] =	stream.linear.scatter [tilespmem:s9], [sflag:$0x7], $0x4000, $0x38;
	[tilespmem:$0x10400] =	vst v63  }
0x6c: {  	_ =	swait.ge [sflag:s19], $0x4000  }
0x6d: {  	[sflag:s19] =	ssyncset.done $0x0  }
0x6e: {  	[sflag:s19] =	ssyncadd.s32 $0xFFFFC000  }
0x6f: {  	[tilespmem:s7], [sflag:$0x2] =	stream.indirect.gather [hbm4b:s2+s5], $0x80, s20, s5, $0xb8;
	[tilespmem:$0x10400] =	vst v63  }
0x70: {  	_ =	swait.ge [sflag:s21], $0x4000  }
0x71: {  	[sflag:s21] =	ssyncset.done $0x0  }
0x72: {  	[sflag:s21] =	ssyncadd.s32 $0xFFFFC000  }
0x73: {  	[hbm4b:s22+s3] =	stream.linear.scatter [tilespmem:s12], [sflag:$0x8], $0x4000, $0x38;
	[tilespmem:$0x10400] =	vst v63  }
0x74: {  	_ =	swait.ge [sflag:s23], $0x4000  }
0x75: {  	[sflag:s23] =	ssyncset.done $0x0  }
0x76: {  	[sflag:s23] =	ssyncadd.s32 $0xFFFFC000  }
0x77: {  	[tilespmem:s9], [sflag:$0x3] =	stream.indirect.gather [hbm4b:s2+s5], $0x80, s24, s5, $0xb8;
	[tilespmem:$0x10400] =	vst v63  }
0x78: {  	_ =	swait.ge [sflag:s10], $0x4000  }
0x79: {  	[sflag:s10] =	ssyncset.done $0x0  }
0x7a: {  	[sflag:s10] =	ssyncadd.s32 $0xFFFFC000  }
0x7b: {  	[hbm4b:s26+s3] =	stream.linear.scatter [tilespmem:s6], [sflag:$0x5], $0x4000, $0x38;
	[tilespmem:$0x10400] =	vst v63  }
0x7c: {  	_ =	swait.ge [sflag:s25], $0x4000  }
0x7d: {  	[sflag:s25] =	ssyncset.done $0x0  }
0x7e: {  	[sflag:s25] =	ssyncadd.s32 $0xFFFFC000  }
0x7f: {  	[tilespmem:s12], [sflag:$0x4] =	stream.indirect.gather [hbm4b:s2+s5], $0x80, s28, s5, $0xb8;
	[tilespmem:$0x10400] =	vst v63  }
0x80: {  	_ =	swait.ge [sflag:s13], $0x4000  }
0x81: {  	[sflag:s13] =	ssyncset.done $0x0  }
0x82: {  	[sflag:s13] =	ssyncadd.s32 $0xFFFFC000  }
0x83: {  	[hbm4b:s29+s3] =	stream.linear.scatter [tilespmem:s7], [sflag:$0x6], $0x4000, $0x38;
	[tilespmem:$0x10400] =	vst v63  }
0x84: {  	_ =	swait.ge [sflag:s17], $0x4000  }
0x85: {  	[sflag:s17] =	ssyncset.done $0x0  }
0x86: {  	[sflag:s17] =	ssyncadd.s32 $0xFFFFC000  }
0x87: {  	[hbm4b:s30+s3] =	stream.linear.scatter [tilespmem:s9], [sflag:$0x7], $0x4000, $0x38;
	[tilespmem:$0x10400] =	vst v63  }
0x88: {  	_ =	swait.ge [sflag:s21], $0x4000  }
0x89: {  	[sflag:s21] =	ssyncset.done $0x0  }
0x8a: {  	[sflag:s21] =	ssyncadd.s32 $0xFFFFC000  }
0x8b: {  	[hbm4b:s31+s3] =	stream.linear.scatter [tilespmem:s12], [sflag:$0x8], $0x4000, $0x38;
	[tilespmem:$0x10400] =	vst v63  }
0x8c: {  	_ =	swait.ge [sflag:s15], $0x4000  }
0x8d: {  	[sflag:s15] =	ssyncset.done $0x0  }
0x8e: {  	[sflag:s15] =	ssyncadd.s32 $0xFFFFC000  }
0x8f: {  	_ =	swait.ge [sflag:s19], $0x4000  }
0x90: {  	p0 =	sne.s32 s0, $0x1;
	[sflag:s19] =	ssyncset.done $0x0  }
.Ltmp1:
0x91: {  	[sflag:s19] =	ssyncadd.s32 $0xFFFFC000;
	(pc) =	sbr.rel @p0 .LBB2_1-.Ltmp1, $4  }
0x92: {  	_ =	swait.ge [sflag:s23], $0x4000  }
0x93: {  	[sflag:s23] =	ssyncset.done $0x0  }
0x94: {  	[sflag:s23] =	ssyncadd.s32 $0xFFFFC000  }
0x95: {  	s0 =	sadd.s32 $0xFFFFFFFF, s0;
	_ =	swait.ge [sflag:s25], $0x4000  }
.LBB2_2:
0x96: {  	[sflag:s25] =	ssyncset.done $0x0  }
0x97: {  	[sflag:s25] =	ssyncadd.s32 $0xFFFFC000  }
0x98: {  	_ =	sfence.sel $0x180000  }
0x99: {  	[bflag:$0x0] =	sbarrier.arrive $0xFFFF  }
0x9a: {  	_ =	strace $0x90000047  }
0x9b: {  	s0 =	stileid.u32;
	[bflag:$0x2] =	sbarrier.arrive $0xFFFF  }
0x9c: {  	p0 =	sne.s32 s0, $0x0;
	s0 =	rddreg [dreg:$0x2]  }
0x9d: {  	s0 =	sadd.s32 @!p0 $0x100000, s0  }
0x9e: {  	[sflag:s0] =	ssyncadd.tile.s32 @!p0 $0x1;
	_ =	shalt  }
.Lfunc_end2:
_tile_overlayer_lowered:
.L_overlay_start_2:
0x9f: {  	(tag) =	ssettag $0x2  }
0xa0: {  	s0 =	rddreg [dreg:$0x0];
	s2 =	stileid.u32  }
0xa1: {  	s1 =	rddreg [dreg:$0x1];
	p0 =	sne.s32 s2, $0x0  }
0xa2: {  	s3 =	rddreg [dreg:$0x2];
	[bflag:$0x3] =	sbarrier.arrive $0xFFFF;
	s2 =	simm.s32 @!p0 $0x1C09  }
0xa3: {  	[timem:s3], [sflag:s2] =	dma.local @!p0 [hbm:s0], s1  }
0xa4: {  	s0 =	simm.s32 @!p0 $0x9  }
0xa5: {  	_ =	swait.ge @!p0 [sflag:s0], s1  }
0xa6: {  	s1 =	ssub.s32 @!p0 $0x0, s1;
	[sflag:s0] =	ssyncset.done @!p0 $0x0  }
0xa7: {  	[sflag:s0] =	ssyncadd.s32 @!p0 s1  }
0xa8: {  	[bflag:$0x3] =	sbarrier.arrive $0xFFFF  }
0xa9: {  	_ =	shalt  }

</sc_bundles>
